<compile_context>
chip_gen: v7x
topology: tpu7x:2x2x1
jax: 0.10.2.dev20260603
libtpu: 0.0.44.dev20260713+nightly
codegen_flags: <defaults>
</compile_context>

<pallas_src>
import functools

import jax
import jax.numpy as jnp
from jax import lax
from jax.experimental import pallas as pl
from jax.experimental.pallas import tpu as pltpu
from jax.experimental.pallas import tpu_sc as plsc

_NC = 2
_NS = 16
_NW = _NC * _NS
_LANES = 16


def _elu_vec(v):
    return jnp.where(v > 0, v, jnp.exp(jnp.minimum(v, 0.0)) - 1.0)


def _make_sc_elu(n_total, chunk):
    per_w = n_total // _NW
    assert per_w % chunk == 0 and chunk % _LANES == 0
    n_chunks = per_w // chunk
    mesh = plsc.VectorSubcoreMesh(core_axis_name="c", subcore_axis_name="s")

    unroll = 10
    assert (chunk // _LANES) % unroll == 0

    @functools.partial(
        pl.kernel,
        mesh=mesh,
        out_type=jax.ShapeDtypeStruct((n_total,), jnp.float32),
        scratch_types=[pltpu.VMEM((chunk,), jnp.float32),
                       pltpu.VMEM((chunk,), jnp.float32)],
    )
    def sc_elu(x_hbm, out_hbm, buf_in, buf_out):
        wid = lax.axis_index("s") * _NC + lax.axis_index("c")
        base = wid * per_w
        for c in range(n_chunks):
            off = base + c * chunk
            pltpu.sync_copy(x_hbm.at[pl.ds(off, chunk)], buf_in)

            def body(i, carry):
                for u in range(unroll):
                    sl = pl.ds((i * unroll + u) * _LANES, _LANES)
                    buf_out[sl] = _elu_vec(buf_in[sl])
                return carry

            lax.fori_loop(0, chunk // (_LANES * unroll), body, 0)
            pltpu.sync_copy(buf_out, out_hbm.at[pl.ds(off, chunk)])

    return sc_elu


def _elu_tile(in_ref, out_ref):
    out_ref[...] = _elu_vec(in_ref[...])


def _elu_pallas_tc(a, rows_per_block):
    n_rows, n_cols = a.shape
    assert n_rows % rows_per_block == 0
    spec = pl.BlockSpec((rows_per_block, n_cols), lambda i: (i, 0))
    return pl.pallas_call(
        _elu_tile,
        grid=(n_rows // rows_per_block,),
        in_specs=[spec],
        out_specs=spec,
        out_shape=jax.ShapeDtypeStruct(a.shape, a.dtype),
        compiler_params=pltpu.CompilerParams(
            dimension_semantics=("parallel",),
            vmem_limit_bytes=63 * 1024 * 1024),
    )(a)


def kernel(x, edge_index, edge_attr, batch, W_pd_n, b_pd_n, W_pd_e, b_pd_e,
           g1_n, bt1_n, g1_e, bt1_e, W_em, b_em, g_em, bt_em,
           W_nm1, b_nm1, g_nm1, bt_nm1, W_nm2, b_nm2, g_nm2, bt_nm2,
           W_pu_n, b_pu_n, W_pu_e, b_pu_e, g2_n, bt2_n, g2_e, bt2_e):
    n, c = x.shape
    e_new = _elu_pallas_tc(edge_attr, 10000)
    sc_elu = _make_sc_elu(n * c, chunk=24000)
    x_new = sc_elu(x.reshape(-1)).reshape(n, c)
    return (x_new, e_new)

# --- scband reference (transcript-rebuilt; emitter-appended) ---
"""Pipeline reference for scband-res-block-2370821948119 (READ-ONLY COPY).

The authoritative reference and input builder live on the scoring server;
editing this copy changes nothing except your own understanding.
"""

import jax, jax.numpy as jnp
import numpy as np

N = 10000
E = 160000
C = 384
H = C // 3

def _lin(key, fi, fo):
    k1, k2 = jax.random.split(key)
    b = 1.0 / np.sqrt(fi)
    W = jax.random.uniform(k1, (fi, fo), minval=-b, maxval=b, dtype=jnp.float32)
    bias = jax.random.uniform(k2, (fo,), minval=-b, maxval=b, dtype=jnp.float32)
    return W, bias

def _bn(x, g, b, eps=1e-4):
    mu = jnp.mean(x, axis=0, keepdims=True)
    var = jnp.var(x, axis=0, keepdims=True)
    return g * (x - mu) / jnp.sqrt(var + eps) + b

def setup_inputs(seed: int = 0):
    key = jax.random.key(seed)
    ks = jax.random.split(key, 12)
    x = jax.random.normal(ks[0], (N, C), dtype=jnp.float32)
    edge_index = jax.random.randint(ks[1], (2, E), 0, N)
    edge_attr = jax.random.normal(ks[2], (E, C), dtype=jnp.float32)
    batch = jnp.zeros((N,), dtype=jnp.int32)
    W_pd_n, b_pd_n = _lin(ks[3], C, H)
    W_pd_e, b_pd_e = _lin(ks[4], C, H)
    W_em, b_em = _lin(ks[5], 3 * H, H)
    W_nm1, b_nm1 = _lin(ks[6], 2 * H, H)
    W_nm2, b_nm2 = _lin(ks[7], 2 * H, H)
    W_pu_n, b_pu_n = _lin(ks[8], H, C)
    W_pu_e, b_pu_e = _lin(ks[9], H, C)
    onesH = jnp.ones((H,), dtype=jnp.float32)
    zerosH = jnp.zeros((H,), dtype=jnp.float32)
    zerosC = jnp.zeros((C,), dtype=jnp.float32)
    return {"x": x, "edge_index": edge_index, "edge_attr": edge_attr, "batch": batch,
            "W_pd_n": W_pd_n, "b_pd_n": b_pd_n, "W_pd_e": W_pd_e, "b_pd_e": b_pd_e,
            "g1_n": onesH, "bt1_n": zerosH, "g1_e": onesH, "bt1_e": zerosH,
            "W_em": W_em, "b_em": b_em, "g_em": onesH, "bt_em": zerosH,
            "W_nm1": W_nm1, "b_nm1": b_nm1, "g_nm1": onesH, "bt_nm1": zerosH,
            "W_nm2": W_nm2, "b_nm2": b_nm2, "g_nm2": onesH, "bt_nm2": zerosH,
            "W_pu_n": W_pu_n, "b_pu_n": b_pu_n, "W_pu_e": W_pu_e, "b_pu_e": b_pu_e,
            "g2_n": zerosC, "bt2_n": zerosC, "g2_e": zerosC, "bt2_e": zerosC}

def reference(x, edge_index, edge_attr, batch, W_pd_n, b_pd_n, W_pd_e, b_pd_e,
              g1_n, bt1_n, g1_e, bt1_e, W_em, b_em, g_em, bt_em,
              W_nm1, b_nm1, g_nm1, bt_nm1, W_nm2, b_nm2, g_nm2, bt_nm2,
              W_pu_n, b_pu_n, W_pu_e, b_pu_e, g2_n, bt2_n, g2_e, bt2_e):
    row = edge_index[0]
    col = edge_index[1]
    # projectDown + bn1 + elu
    h_node = jax.nn.elu(_bn(x @ W_pd_n + b_pd_n, g1_n, bt1_n))
    h_edge = jax.nn.elu(_bn(edge_attr @ W_pd_e + b_pd_e, g1_e, bt1_e))
    # MetaLayer edge model: cat([src, dest, edge_attr]) -> Linear -> BN -> ELU
    e_in = jnp.concatenate([h_node[row], h_node[col], h_edge], axis=1)
    h_edge2 = jax.nn.elu(_bn(e_in @ W_em + b_em, g_em, bt_em))
    # MetaLayer node model: mlp1 on [x[row], edge_attr], scatter_mean over col, mlp2 on [x, agg]
    n_in = jnp.concatenate([h_node[row], h_edge2], axis=1)
    m = jax.nn.elu(_bn(n_in @ W_nm1 + b_nm1, g_nm1, bt_nm1))
    s = jax.ops.segment_sum(m, col, num_segments=N)
    cnt = jax.ops.segment_sum(jnp.ones((E, 1), dtype=jnp.float32), col, num_segments=N)
    agg = s / jnp.maximum(cnt, 1.0)
    h_node2 = jax.nn.elu(_bn(jnp.concatenate([h_node, agg], axis=1) @ W_nm2 + b_nm2, g_nm2, bt_nm2))
    # projectUp + bn2 (gamma init 0) + residual + elu; dropout = identity (eval)
    x_new = jax.nn.elu(_bn(h_node2 @ W_pu_n + b_pu_n, g2_n, bt2_n) + x)
    e_new = jax.nn.elu(_bn(h_edge2 @ W_pu_e + b_pu_e, g2_e, bt2_e) + edge_attr)
    return (x_new, e_new)

if __name__ == "__main__":
    import jax
    _d = setup_inputs()
    print(jax.jit(kernel)(*tuple(_d.values())))

</pallas_src>

<mosaic_0001>
#map = affine_map<(d0, d1) -> (0)>
module attributes {stable_mosaic.version = 14 : i64} {
  func.func @sc_elu(%arg0: i32, %arg1: i32, %arg2: memref<3840000xf32, #tpu.memory_space<hbm>>, %arg3: memref<3840000xf32, #tpu.memory_space<hbm>>, %arg4: memref<24000xf32, #tpu.memory_space<vmem>>, %arg5: memref<24000xf32, #tpu.memory_space<vmem>>) attributes {dimension_semantics = [#tpu.dimension_semantics<core_parallel>, #tpu.dimension_semantics<subcore_parallel>], iteration_bounds = array<i64: 2, 16>, scalar_prefetch = 0 : i64, scratch_operands = 2 : i64, tpu.core_type = #tpu.core_type<sc_vector_subcore>, window_params = [{transform_indices = #map}, {transform_indices = #map}]} {
    %mul3A = arith.constant 2 : i32
    %mul3A_0 = arith.muli %arg1, %mul3A : i32
    %add3A = arith.addi %mul3A_0, %arg0 : i32
    %mul3A_1 = arith.constant 120000 : i32
    %mul3A_2 = arith.muli %add3A, %mul3A_1 : i32
    %add3A_3 = arith.constant 0 : i32
    %add3A_4 = arith.addi %mul3A_2, %add3A_3 : i32
    "tpu.region"() ({
      %run_scoped3A = tpu.sem_alloc : memref<!tpu.dma_semaphore, #tpu.memory_space<semaphore_mem>>
      %dma_start3A = tpu.memref_slice %arg2[%add3A_4] : memref<3840000xf32, #tpu.memory_space<hbm>> -> memref<24000xf32, #tpu.memory_space<hbm>>
      %dma_start3A_42 = tpu.memref_slice %arg2[%add3A_4] : memref<3840000xf32, #tpu.memory_space<hbm>> -> memref<24000xf32, #tpu.memory_space<hbm>>
      tpu.enqueue_dma source(%dma_start3A_42 : memref<24000xf32, #tpu.memory_space<hbm>>) target(%arg4 : memref<24000xf32, #tpu.memory_space<vmem>>) target_semaphore(%run_scoped3A : memref<!tpu.dma_semaphore, #tpu.memory_space<semaphore_mem>>)
      %dma_wait3A = tpu.memref_slice %arg2[%add3A_4] : memref<3840000xf32, #tpu.memory_space<hbm>> -> memref<24000xf32, #tpu.memory_space<hbm>>
      %dma_wait3A_43 = tpu.memref_slice %arg2[%add3A_4] : memref<3840000xf32, #tpu.memory_space<hbm>> -> memref<24000xf32, #tpu.memory_space<hbm>>
      tpu.wait_dma2 semaphore(%run_scoped3A : memref<!tpu.dma_semaphore, #tpu.memory_space<semaphore_mem>>) src(%dma_wait3A_43 : memref<24000xf32, #tpu.memory_space<hbm>>) dst(%arg4 : memref<24000xf32, #tpu.memory_space<vmem>>)
      tpu.yield
    }) : () -> ()
    %scan3A = arith.constant 0 : i32
    %scan3A_5 = arith.constant 0 : i32
    %scan3A_6 = arith.constant 150 : i32
    %scan3A_7 = arith.addi %scan3A_5, %scan3A_6 : i32
    %scan3A_8 = arith.constant 1 : i32
    scf.for %scan3A_42 = %scan3A_5 to %scan3A_7 step %scan3A_8  : i32 {
      %mul3A_43 = arith.constant 10 : i32
      %mul3A_44 = arith.muli %scan3A_42, %mul3A_43 : i32
      %add3A_45 = arith.constant 0 : i32
      %add3A_46 = arith.addi %mul3A_44, %add3A_45 : i32
      %mul3A_47 = arith.constant 16 : i32
      %mul3A_48 = arith.muli %add3A_46, %mul3A_47 : i32
      %get3A = arith.index_cast %mul3A_48 : i32 to index
      %get3A_49 = tpu.vector_load %arg4[%get3A] {strides = array<i32>} : memref<24000xf32, #tpu.memory_space<vmem>>, vector<16xf32>,
      %get3A_50 = vector.shape_cast %get3A_49 : vector<16xf32> to vector<16xf32>
      %gt3A = arith.constant 0.000000e+00 : f32
      %gt3A_51 = vector.broadcast %gt3A : f32 to vector<16xf32>
      %gt3A_52 = arith.cmpf ogt, %get3A_50, %gt3A_51 : vector<16xf32>
      %min3A = arith.constant 0.000000e+00 : f32
      %min3A_53 = vector.broadcast %min3A : f32 to vector<16xf32>
      %min3A_54 = arith.minimumf %get3A_50, %min3A_53 : vector<16xf32>
      %exp3A = math.exp %min3A_54 : vector<16xf32>
      %sub3A = arith.constant 1.000000e+00 : f32
      %sub3A_55 = vector.broadcast %sub3A : f32 to vector<16xf32>
      %sub3A_56 = arith.subf %exp3A, %sub3A_55 : vector<16xf32>
      %select_n3A = arith.select %gt3A_52, %get3A_50, %sub3A_56 : vector<16xi1>, vector<16xf32>
      %swap3A = arith.index_cast %mul3A_48 : i32 to index
      %swap3A_57 = tpu.vector_load %arg5[%swap3A] {strides = array<i32>} : memref<24000xf32, #tpu.memory_space<vmem>>, vector<16xf32>,
      %swap3A_58 = vector.shape_cast %swap3A_57 : vector<16xf32> to vector<16xf32>
      %swap3A_59 = vector.shape_cast %select_n3A : vector<16xf32> to vector<16xf32>
      tpu.vector_store %arg5[%swap3A], %swap3A_59 {strides = array<i32>} : memref<24000xf32, #tpu.memory_space<vmem>>, vector<16xf32>,
      %mul3A_60 = arith.constant 10 : i32
      %mul3A_61 = arith.muli %scan3A_42, %mul3A_60 : i32
      %add3A_62 = arith.constant 1 : i32
      %add3A_63 = arith.addi %mul3A_61, %add3A_62 : i32
      %mul3A_64 = arith.constant 16 : i32
      %mul3A_65 = arith.muli %add3A_63, %mul3A_64 : i32
      %get3A_66 = arith.index_cast %mul3A_65 : i32 to index
      %get3A_67 = tpu.vector_load %arg4[%get3A_66] {strides = array<i32>} : memref<24000xf32, #tpu.memory_space<vmem>>, vector<16xf32>,
      %get3A_68 = vector.shape_cast %get3A_67 : vector<16xf32> to vector<16xf32>
      %gt3A_69 = arith.constant 0.000000e+00 : f32
      %gt3A_70 = vector.broadcast %gt3A_69 : f32 to vector<16xf32>
      %gt3A_71 = arith.cmpf ogt, %get3A_68, %gt3A_70 : vector<16xf32>
      %min3A_72 = arith.constant 0.000000e+00 : f32
      %min3A_73 = vector.broadcast %min3A_72 : f32 to vector<16xf32>
      %min3A_74 = arith.minimumf %get3A_68, %min3A_73 : vector<16xf32>
      %exp3A_75 = math.exp %min3A_74 : vector<16xf32>
      %sub3A_76 = arith.constant 1.000000e+00 : f32
      %sub3A_77 = vector.broadcast %sub3A_76 : f32 to vector<16xf32>
      %sub3A_78 = arith.subf %exp3A_75, %sub3A_77 : vector<16xf32>
      %select_n3A_79 = arith.select %gt3A_71, %get3A_68, %sub3A_78 : vector<16xi1>, vector<16xf32>
      %swap3A_80 = arith.index_cast %mul3A_65 : i32 to index
      %swap3A_81 = tpu.vector_load %arg5[%swap3A_80] {strides = array<i32>} : memref<24000xf32, #tpu.memory_space<vmem>>, vector<16xf32>,
      %swap3A_82 = vector.shape_cast %swap3A_81 : vector<16xf32> to vector<16xf32>
      %swap3A_83 = vector.shape_cast %select_n3A_79 : vector<16xf32> to vector<16xf32>
      tpu.vector_store %arg5[%swap3A_80], %swap3A_83 {strides = array<i32>} : memref<24000xf32, #tpu.memory_space<vmem>>, vector<16xf32>,
      %mul3A_84 = arith.constant 10 : i32
      %mul3A_85 = arith.muli %scan3A_42, %mul3A_84 : i32
      %add3A_86 = arith.constant 2 : i32
      %add3A_87 = arith.addi %mul3A_85, %add3A_86 : i32
      %mul3A_88 = arith.constant 16 : i32
      %mul3A_89 = arith.muli %add3A_87, %mul3A_88 : i32
      %get3A_90 = arith.index_cast %mul3A_89 : i32 to index
      %get3A_91 = tpu.vector_load %arg4[%get3A_90] {strides = array<i32>} : memref<24000xf32, #tpu.memory_space<vmem>>, vector<16xf32>,
      %get3A_92 = vector.shape_cast %get3A_91 : vector<16xf32> to vector<16xf32>
      %gt3A_93 = arith.constant 0.000000e+00 : f32
      %gt3A_94 = vector.broadcast %gt3A_93 : f32 to vector<16xf32>
      %gt3A_95 = arith.cmpf ogt, %get3A_92, %gt3A_94 : vector<16xf32>
      %min3A_96 = arith.constant 0.000000e+00 : f32
      %min3A_97 = vector.broadcast %min3A_96 : f32 to vector<16xf32>
      %min3A_98 = arith.minimumf %get3A_92, %min3A_97 : vector<16xf32>
      %exp3A_99 = math.exp %min3A_98 : vector<16xf32>
      %sub3A_100 = arith.constant 1.000000e+00 : f32
      %sub3A_101 = vector.broadcast %sub3A_100 : f32 to vector<16xf32>
      %sub3A_102 = arith.subf %exp3A_99, %sub3A_101 : vector<16xf32>
      %select_n3A_103 = arith.select %gt3A_95, %get3A_92, %sub3A_102 : vector<16xi1>, vector<16xf32>
      %swap3A_104 = arith.index_cast %mul3A_89 : i32 to index
      %swap3A_105 = tpu.vector_load %arg5[%swap3A_104] {strides = array<i32>} : memref<24000xf32, #tpu.memory_space<vmem>>, vector<16xf32>,
      %swap3A_106 = vector.shape_cast %swap3A_105 : vector<16xf32> to vector<16xf32>
      %swap3A_107 = vector.shape_cast %select_n3A_103 : vector<16xf32> to vector<16xf32>
      tpu.vector_store %arg5[%swap3A_104], %swap3A_107 {strides = array<i32>} : memref<24000xf32, #tpu.memory_space<vmem>>, vector<16xf32>,
      %mul3A_108 = arith.constant 10 : i32
      %mul3A_109 = arith.muli %scan3A_42, %mul3A_108 : i32
      %add3A_110 = arith.constant 3 : i32
      %add3A_111 = arith.addi %mul3A_109, %add3A_110 : i32
      %mul3A_112 = arith.constant 16 : i32
      %mul3A_113 = arith.muli %add3A_111, %mul3A_112 : i32
      %get3A_114 = arith.index_cast %mul3A_113 : i32 to index
      %get3A_115 = tpu.vector_load %arg4[%get3A_114] {strides = array<i32>} : memref<24000xf32, #tpu.memory_space<vmem>>, vector<16xf32>,
      %get3A_116 = vector.shape_cast %get3A_115 : vector<16xf32> to vector<16xf32>
      %gt3A_117 = arith.constant 0.000000e+00 : f32
      %gt3A_118 = vector.broadcast %gt3A_117 : f32 to vector<16xf32>
      %gt3A_119 = arith.cmpf ogt, %get3A_116, %gt3A_118 : vector<16xf32>
      %min3A_120 = arith.constant 0.000000e+00 : f32
      %min3A_121 = vector.broadcast %min3A_120 : f32 to vector<16xf32>
      %min3A_122 = arith.minimumf %get3A_116, %min3A_121 : vector<16xf32>
      %exp3A_123 = math.exp %min3A_122 : vector<16xf32>
      %sub3A_124 = arith.constant 1.000000e+00 : f32
      %sub3A_125 = vector.broadcast %sub3A_124 : f32 to vector<16xf32>
      %sub3A_126 = arith.subf %exp3A_123, %sub3A_125 : vector<16xf32>
      %select_n3A_127 = arith.select %gt3A_119, %get3A_116, %sub3A_126 : vector<16xi1>, vector<16xf32>
      %swap3A_128 = arith.index_cast %mul3A_113 : i32 to index
      %swap3A_129 = tpu.vector_load %arg5[%swap3A_128] {strides = array<i32>} : memref<24000xf32, #tpu.memory_space<vmem>>, vector<16xf32>,
      %swap3A_130 = vector.shape_cast %swap3A_129 : vector<16xf32> to vector<16xf32>
      %swap3A_131 = vector.shape_cast %select_n3A_127 : vector<16xf32> to vector<16xf32>
      tpu.vector_store %arg5[%swap3A_128], %swap3A_131 {strides = array<i32>} : memref<24000xf32, #tpu.memory_space<vmem>>, vector<16xf32>,
      %mul3A_132 = arith.constant 10 : i32
      %mul3A_133 = arith.muli %scan3A_42, %mul3A_132 : i32
      %add3A_134 = arith.constant 4 : i32
      %add3A_135 = arith.addi %mul3A_133, %add3A_134 : i32
      %mul3A_136 = arith.constant 16 : i32
      %mul3A_137 = arith.muli %add3A_135, %mul3A_136 : i32
      %get3A_138 = arith.index_cast %mul3A_137 : i32 to index
      %get3A_139 = tpu.vector_load %arg4[%get3A_138] {strides = array<i32>} : memref<24000xf32, #tpu.memory_space<vmem>>, vector<16xf32>,
      %get3A_140 = vector.shape_cast %get3A_139 : vector<16xf32> to vector<16xf32>
      %gt3A_141 = arith.constant 0.000000e+00 : f32
      %gt3A_142 = vector.broadcast %gt3A_141 : f32 to vector<16xf32>
      %gt3A_143 = arith.cmpf ogt, %get3A_140, %gt3A_142 : vector<16xf32>
      %min3A_144 = arith.constant 0.000000e+00 : f32
      %min3A_145 = vector.broadcast %min3A_144 : f32 to vector<16xf32>
      %min3A_146 = arith.minimumf %get3A_140, %min3A_145 : vector<16xf32>
      %exp3A_147 = math.exp %min3A_146 : vector<16xf32>
      %sub3A_148 = arith.constant 1.000000e+00 : f32
      %sub3A_149 = vector.broadcast %sub3A_148 : f32 to vector<16xf32>
      %sub3A_150 = arith.subf %exp3A_147, %sub3A_149 : vector<16xf32>
      %select_n3A_151 = arith.select %gt3A_143, %get3A_140, %sub3A_150 : vector<16xi1>, vector<16xf32>
      %swap3A_152 = arith.index_cast %mul3A_137 : i32 to index
      %swap3A_153 = tpu.vector_load %arg5[%swap3A_152] {strides = array<i32>} : memref<24000xf32, #tpu.memory_space<vmem>>, vector<16xf32>,
      %swap3A_154 = vector.shape_cast %swap3A_153 : vector<16xf32> to vector<16xf32>
      %swap3A_155 = vector.shape_cast %select_n3A_151 : vector<16xf32> to vector<16xf32>
      tpu.vector_store %arg5[%swap3A_152], %swap3A_155 {strides = array<i32>} : memref<24000xf32, #tpu.memory_space<vmem>>, vector<16xf32>,
      %mul3A_156 = arith.constant 10 : i32
      %mul3A_157 = arith.muli %scan3A_42, %mul3A_156 : i32
      %add3A_158 = arith.constant 5 : i32
      %add3A_159 = arith.addi %mul3A_157, %add3A_158 : i32
      %mul3A_160 = arith.constant 16 : i32
      %mul3A_161 = arith.muli %add3A_159, %mul3A_160 : i32
      %get3A_162 = arith.index_cast %mul3A_161 : i32 to index
      %get3A_163 = tpu.vector_load %arg4[%get3A_162] {strides = array<i32>} : memref<24000xf32, #tpu.memory_space<vmem>>, vector<16xf32>,
      %get3A_164 = vector.shape_cast %get3A_163 : vector<16xf32> to vector<16xf32>
      %gt3A_165 = arith.constant 0.000000e+00 : f32
      %gt3A_166 = vector.broadcast %gt3A_165 : f32 to vector<16xf32>
      %gt3A_167 = arith.cmpf ogt, %get3A_164, %gt3A_166 : vector<16xf32>
      %min3A_168 = arith.constant 0.000000e+00 : f32
      %min3A_169 = vector.broadcast %min3A_168 : f32 to vector<16xf32>
      %min3A_170 = arith.minimumf %get3A_164, %min3A_169 : vector<16xf32>
      %exp3A_171 = math.exp %min3A_170 : vector<16xf32>
      %sub3A_172 = arith.constant 1.000000e+00 : f32
      %sub3A_173 = vector.broadcast %sub3A_172 : f32 to vector<16xf32>
      %sub3A_174 = arith.subf %exp3A_171, %sub3A_173 : vector<16xf32>
      %select_n3A_175 = arith.select %gt3A_167, %get3A_164, %sub3A_174 : vector<16xi1>, vector<16xf32>
      %swap3A_176 = arith.index_cast %mul3A_161 : i32 to index
      %swap3A_177 = tpu.vector_load %arg5[%swap3A_176] {strides = array<i32>} : memref<24000xf32, #tpu.memory_space<vmem>>, vector<16xf32>,
      %swap3A_178 = vector.shape_cast %swap3A_177 : vector<16xf32> to vector<16xf32>
      %swap3A_179 = vector.shape_cast %select_n3A_175 : vector<16xf32> to vector<16xf32>
      tpu.vector_store %arg5[%swap3A_176], %swap3A_179 {strides = array<i32>} : memref<24000xf32, #tpu.memory_space<vmem>>, vector<16xf32>,
      %mul3A_180 = arith.constant 10 : i32
      %mul3A_181 = arith.muli %scan3A_42, %mul3A_180 : i32
      %add3A_182 = arith.constant 6 : i32
      %add3A_183 = arith.addi %mul3A_181, %add3A_182 : i32
      %mul3A_184 = arith.constant 16 : i32
      %mul3A_185 = arith.muli %add3A_183, %mul3A_184 : i32
      %get3A_186 = arith.index_cast %mul3A_185 : i32 to index
      %get3A_187 = tpu.vector_load %arg4[%get3A_186] {strides = array<i32>} : memref<24000xf32, #tpu.memory_space<vmem>>, vector<16xf32>,
      %get3A_188 = vector.shape_cast %get3A_187 : vector<16xf32> to vector<16xf32>
      %gt3A_189 = arith.constant 0.000000e+00 : f32
      %gt3A_190 = vector.broadcast %gt3A_189 : f32 to vector<16xf32>
      %gt3A_191 = arith.cmpf ogt, %get3A_188, %gt3A_190 : vector<16xf32>
      %min3A_192 = arith.constant 0.000000e+00 : f32
      %min3A_193 = vector.broadcast %min3A_192 : f32 to vector<16xf32>
      %min3A_194 = arith.minimumf %get3A_188, %min3A_193 : vector<16xf32>
      %exp3A_195 = math.exp %min3A_194 : vector<16xf32>
      %sub3A_196 = arith.constant 1.000000e+00 : f32
      %sub3A_197 = vector.broadcast %sub3A_196 : f32 to vector<16xf32>
      %sub3A_198 = arith.subf %exp3A_195, %sub3A_197 : vector<16xf32>
      %select_n3A_199 = arith.select %gt3A_191, %get3A_188, %sub3A_198 : vector<16xi1>, vector<16xf32>
      %swap3A_200 = arith.index_cast %mul3A_185 : i32 to index
      %swap3A_201 = tpu.vector_load %arg5[%swap3A_200] {strides = array<i32>} : memref<24000xf32, #tpu.memory_space<vmem>>, vector<16xf32>,
      %swap3A_202 = vector.shape_cast %swap3A_201 : vector<16xf32> to vector<16xf32>
      %swap3A_203 = vector.shape_cast %select_n3A_199 : vector<16xf32> to vector<16xf32>
      tpu.vector_store %arg5[%swap3A_200], %swap3A_203 {strides = array<i32>} : memref<24000xf32, #tpu.memory_space<vmem>>, vector<16xf32>,
      %mul3A_204 = arith.constant 10 : i32
      %mul3A_205 = arith.muli %scan3A_42, %mul3A_204 : i32
      %add3A_206 = arith.constant 7 : i32
      %add3A_207 = arith.addi %mul3A_205, %add3A_206 : i32
      %mul3A_208 = arith.constant 16 : i32
      %mul3A_209 = arith.muli %add3A_207, %mul3A_208 : i32
      %get3A_210 = arith.index_cast %mul3A_209 : i32 to index
      %get3A_211 = tpu.vector_load %arg4[%get3A_210] {strides = array<i32>} : memref<24000xf32, #tpu.memory_space<vmem>>, vector<16xf32>,
      %get3A_212 = vector.shape_cast %get3A_211 : vector<16xf32> to vector<16xf32>
      %gt3A_213 = arith.constant 0.000000e+00 : f32
      %gt3A_214 = vector.broadcast %gt3A_213 : f32 to vector<16xf32>
      %gt3A_215 = arith.cmpf ogt, %get3A_212, %gt3A_214 : vector<16xf32>
      %min3A_216 = arith.constant 0.000000e+00 : f32
      %min3A_217 = vector.broadcast %min3A_216 : f32 to vector<16xf32>
      %min3A_218 = arith.minimumf %get3A_212, %min3A_217 : vector<16xf32>
      %exp3A_219 = math.exp %min3A_218 : vector<16xf32>
      %sub3A_220 = arith.constant 1.000000e+00 : f32
      %sub3A_221 = vector.broadcast %sub3A_220 : f32 to vector<16xf32>
      %sub3A_222 = arith.subf %exp3A_219, %sub3A_221 : vector<16xf32>
      %select_n3A_223 = arith.select %gt3A_215, %get3A_212, %sub3A_222 : vector<16xi1>, vector<16xf32>
      %swap3A_224 = arith.index_cast %mul3A_209 : i32 to index
      %swap3A_225 = tpu.vector_load %arg5[%swap3A_224] {strides = array<i32>} : memref<24000xf32, #tpu.memory_space<vmem>>, vector<16xf32>,
      %swap3A_226 = vector.shape_cast %swap3A_225 : vector<16xf32> to vector<16xf32>
      %swap3A_227 = vector.shape_cast %select_n3A_223 : vector<16xf32> to vector<16xf32>
      tpu.vector_store %arg5[%swap3A_224], %swap3A_227 {strides = array<i32>} : memref<24000xf32, #tpu.memory_space<vmem>>, vector<16xf32>,
      %mul3A_228 = arith.constant 10 : i32
      %mul3A_229 = arith.muli %scan3A_42, %mul3A_228 : i32
      %add3A_230 = arith.constant 8 : i32
      %add3A_231 = arith.addi %mul3A_229, %add3A_230 : i32
      %mul3A_232 = arith.constant 16 : i32
      %mul3A_233 = arith.muli %add3A_231, %mul3A_232 : i32
      %get3A_234 = arith.index_cast %mul3A_233 : i32 to index
      %get3A_235 = tpu.vector_load %arg4[%get3A_234] {strides = array<i32>} : memref<24000xf32, #tpu.memory_space<vmem>>, vector<16xf32>,
      %get3A_236 = vector.shape_cast %get3A_235 : vector<16xf32> to vector<16xf32>
      %gt3A_237 = arith.constant 0.000000e+00 : f32
      %gt3A_238 = vector.broadcast %gt3A_237 : f32 to vector<16xf32>
      %gt3A_239 = arith.cmpf ogt, %get3A_236, %gt3A_238 : vector<16xf32>
      %min3A_240 = arith.constant 0.000000e+00 : f32
      %min3A_241 = vector.broadcast %min3A_240 : f32 to vector<16xf32>
      %min3A_242 = arith.minimumf %get3A_236, %min3A_241 : vector<16xf32>
      %exp3A_243 = math.exp %min3A_242 : vector<16xf32>
      %sub3A_244 = arith.constant 1.000000e+00 : f32
      %sub3A_245 = vector.broadcast %sub3A_244 : f32 to vector<16xf32>
      %sub3A_246 = arith.subf %exp3A_243, %sub3A_245 : vector<16xf32>
      %select_n3A_247 = arith.select %gt3A_239, %get3A_236, %sub3A_246 : vector<16xi1>, vector<16xf32>
      %swap3A_248 = arith.index_cast %mul3A_233 : i32 to index
      %swap3A_249 = tpu.vector_load %arg5[%swap3A_248] {strides = array<i32>} : memref<24000xf32, #tpu.memory_space<vmem>>, vector<16xf32>,
      %swap3A_250 = vector.shape_cast %swap3A_249 : vector<16xf32> to vector<16xf32>
      %swap3A_251 = vector.shape_cast %select_n3A_247 : vector<16xf32> to vector<16xf32>
      tpu.vector_store %arg5[%swap3A_248], %swap3A_251 {strides = array<i32>} : memref<24000xf32, #tpu.memory_space<vmem>>, vector<16xf32>,
      %mul3A_252 = arith.constant 10 : i32
      %mul3A_253 = arith.muli %scan3A_42, %mul3A_252 : i32
      %add3A_254 = arith.constant 9 : i32
      %add3A_255 = arith.addi %mul3A_253, %add3A_254 : i32
      %mul3A_256 = arith.constant 16 : i32
      %mul3A_257 = arith.muli %add3A_255, %mul3A_256 : i32
      %get3A_258 = arith.index_cast %mul3A_257 : i32 to index
      %get3A_259 = tpu.vector_load %arg4[%get3A_258] {strides = array<i32>} : memref<24000xf32, #tpu.memory_space<vmem>>, vector<16xf32>,
      %get3A_260 = vector.shape_cast %get3A_259 : vector<16xf32> to vector<16xf32>
      %gt3A_261 = arith.constant 0.000000e+00 : f32
      %gt3A_262 = vector.broadcast %gt3A_261 : f32 to vector<16xf32>
      %gt3A_263 = arith.cmpf ogt, %get3A_260, %gt3A_262 : vector<16xf32>
      %min3A_264 = arith.constant 0.000000e+00 : f32
      %min3A_265 = vector.broadcast %min3A_264 : f32 to vector<16xf32>
      %min3A_266 = arith.minimumf %get3A_260, %min3A_265 : vector<16xf32>
      %exp3A_267 = math.exp %min3A_266 : vector<16xf32>
      %sub3A_268 = arith.constant 1.000000e+00 : f32
      %sub3A_269 = vector.broadcast %sub3A_268 : f32 to vector<16xf32>
      %sub3A_270 = arith.subf %exp3A_267, %sub3A_269 : vector<16xf32>
      %select_n3A_271 = arith.select %gt3A_263, %get3A_260, %sub3A_270 : vector<16xi1>, vector<16xf32>
      %swap3A_272 = arith.index_cast %mul3A_257 : i32 to index
      %swap3A_273 = tpu.vector_load %arg5[%swap3A_272] {strides = array<i32>} : memref<24000xf32, #tpu.memory_space<vmem>>, vector<16xf32>,
      %swap3A_274 = vector.shape_cast %swap3A_273 : vector<16xf32> to vector<16xf32>
      %swap3A_275 = vector.shape_cast %select_n3A_271 : vector<16xf32> to vector<16xf32>
      tpu.vector_store %arg5[%swap3A_272], %swap3A_275 {strides = array<i32>} : memref<24000xf32, #tpu.memory_space<vmem>>, vector<16xf32>,
    }
    %scan3A_9 = arith.constant 150 : i32
    "tpu.region"() ({
      %run_scoped3A = tpu.sem_alloc : memref<!tpu.dma_semaphore, #tpu.memory_space<semaphore_mem>>
      %dma_start3A = tpu.memref_slice %arg3[%add3A_4] : memref<3840000xf32, #tpu.memory_space<hbm>> -> memref<24000xf32, #tpu.memory_space<hbm>>
      %dma_start3A_42 = tpu.memref_slice %arg3[%add3A_4] : memref<3840000xf32, #tpu.memory_space<hbm>> -> memref<24000xf32, #tpu.memory_space<hbm>>
      tpu.enqueue_dma source(%arg5 : memref<24000xf32, #tpu.memory_space<vmem>>) target(%dma_start3A_42 : memref<24000xf32, #tpu.memory_space<hbm>>) target_semaphore(%run_scoped3A : memref<!tpu.dma_semaphore, #tpu.memory_space<semaphore_mem>>)
      %dma_wait3A = tpu.memref_slice %arg3[%add3A_4] : memref<3840000xf32, #tpu.memory_space<hbm>> -> memref<24000xf32, #tpu.memory_space<hbm>>
      %dma_wait3A_43 = tpu.memref_slice %arg3[%add3A_4] : memref<3840000xf32, #tpu.memory_space<hbm>> -> memref<24000xf32, #tpu.memory_space<hbm>>
      tpu.wait_dma2 semaphore(%run_scoped3A : memref<!tpu.dma_semaphore, #tpu.memory_space<semaphore_mem>>) src(%arg5 : memref<24000xf32, #tpu.memory_space<vmem>>) dst(%dma_wait3A_43 : memref<24000xf32, #tpu.memory_space<hbm>>)
      tpu.yield
    }) : () -> ()
    %add3A_10 = arith.constant 24000 : i32
    %add3A_11 = arith.addi %mul3A_2, %add3A_10 : i32
    "tpu.region"() ({
      %run_scoped3A = tpu.sem_alloc : memref<!tpu.dma_semaphore, #tpu.memory_space<semaphore_mem>>
      %dma_start3A = tpu.memref_slice %arg2[%add3A_11] : memref<3840000xf32, #tpu.memory_space<hbm>> -> memref<24000xf32, #tpu.memory_space<hbm>>
      %dma_start3A_42 = tpu.memref_slice %arg2[%add3A_11] : memref<3840000xf32, #tpu.memory_space<hbm>> -> memref<24000xf32, #tpu.memory_space<hbm>>
      tpu.enqueue_dma source(%dma_start3A_42 : memref<24000xf32, #tpu.memory_space<hbm>>) target(%arg4 : memref<24000xf32, #tpu.memory_space<vmem>>) target_semaphore(%run_scoped3A : memref<!tpu.dma_semaphore, #tpu.memory_space<semaphore_mem>>)
      %dma_wait3A = tpu.memref_slice %arg2[%add3A_11] : memref<3840000xf32, #tpu.memory_space<hbm>> -> memref<24000xf32, #tpu.memory_space<hbm>>
      %dma_wait3A_43 = tpu.memref_slice %arg2[%add3A_11] : memref<3840000xf32, #tpu.memory_space<hbm>> -> memref<24000xf32, #tpu.memory_space<hbm>>
      tpu.wait_dma2 semaphore(%run_scoped3A : memref<!tpu.dma_semaphore, #tpu.memory_space<semaphore_mem>>) src(%dma_wait3A_43 : memref<24000xf32, #tpu.memory_space<hbm>>) dst(%arg4 : memref<24000xf32, #tpu.memory_space<vmem>>)
      tpu.yield
    }) : () -> ()
    %scan3A_12 = arith.constant 0 : i32
    %scan3A_13 = arith.constant 0 : i32
    %scan3A_14 = arith.constant 150 : i32
    %scan3A_15 = arith.addi %scan3A_13, %scan3A_14 : i32
    %scan3A_16 = arith.constant 1 : i32
    scf.for %scan3A_42 = %scan3A_13 to %scan3A_15 step %scan3A_16  : i32 {
      %mul3A_43 = arith.constant 10 : i32
      %mul3A_44 = arith.muli %scan3A_42, %mul3A_43 : i32
      %add3A_45 = arith.constant 0 : i32
      %add3A_46 = arith.addi %mul3A_44, %add3A_45 : i32
      %mul3A_47 = arith.constant 16 : i32
      %mul3A_48 = arith.muli %add3A_46, %mul3A_47 : i32
      %get3A = arith.index_cast %mul3A_48 : i32 to index
      %get3A_49 = tpu.vector_load %arg4[%get3A] {strides = array<i32>} : memref<24000xf32, #tpu.memory_space<vmem>>, vector<16xf32>,
      %get3A_50 = vector.shape_cast %get3A_49 : vector<16xf32> to vector<16xf32>
      %gt3A = arith.constant 0.000000e+00 : f32
      %gt3A_51 = vector.broadcast %gt3A : f32 to vector<16xf32>
      %gt3A_52 = arith.cmpf ogt, %get3A_50, %gt3A_51 : vector<16xf32>
      %min3A = arith.constant 0.000000e+00 : f32
      %min3A_53 = vector.broadcast %min3A : f32 to vector<16xf32>
      %min3A_54 = arith.minimumf %get3A_50, %min3A_53 : vector<16xf32>
      %exp3A = math.exp %min3A_54 : vector<16xf32>
      %sub3A = arith.constant 1.000000e+00 : f32
      %sub3A_55 = vector.broadcast %sub3A : f32 to vector<16xf32>
      %sub3A_56 = arith.subf %exp3A, %sub3A_55 : vector<16xf32>
      %select_n3A = arith.select %gt3A_52, %get3A_50, %sub3A_56 : vector<16xi1>, vector<16xf32>
      %swap3A = arith.index_cast %mul3A_48 : i32 to index
      %swap3A_57 = tpu.vector_load %arg5[%swap3A] {strides = array<i32>} : memref<24000xf32, #tpu.memory_space<vmem>>, vector<16xf32>,
      %swap3A_58 = vector.shape_cast %swap3A_57 : vector<16xf32> to vector<16xf32>
      %swap3A_59 = vector.shape_cast %select_n3A : vector<16xf32> to vector<16xf32>
      tpu.vector_store %arg5[%swap3A], %swap3A_59 {strides = array<i32>} : memref<24000xf32, #tpu.memory_space<vmem>>, vector<16xf32>,
      %mul3A_60 = arith.constant 10 : i32
      %mul3A_61 = arith.muli %scan3A_42, %mul3A_60 : i32
      %add3A_62 = arith.constant 1 : i32
      %add3A_63 = arith.addi %mul3A_61, %add3A_62 : i32
      %mul3A_64 = arith.constant 16 : i32
      %mul3A_65 = arith.muli %add3A_63, %mul3A_64 : i32
      %get3A_66 = arith.index_cast %mul3A_65 : i32 to index
      %get3A_67 = tpu.vector_load %arg4[%get3A_66] {strides = array<i32>} : memref<24000xf32, #tpu.memory_space<vmem>>, vector<16xf32>,
      %get3A_68 = vector.shape_cast %get3A_67 : vector<16xf32> to vector<16xf32>
      %gt3A_69 = arith.constant 0.000000e+00 : f32
      %gt3A_70 = vector.broadcast %gt3A_69 : f32 to vector<16xf32>
      %gt3A_71 = arith.cmpf ogt, %get3A_68, %gt3A_70 : vector<16xf32>
      %min3A_72 = arith.constant 0.000000e+00 : f32
      %min3A_73 = vector.broadcast %min3A_72 : f32 to vector<16xf32>
      %min3A_74 = arith.minimumf %get3A_68, %min3A_73 : vector<16xf32>
      %exp3A_75 = math.exp %min3A_74 : vector<16xf32>
      %sub3A_76 = arith.constant 1.000000e+00 : f32
      %sub3A_77 = vector.broadcast %sub3A_76 : f32 to vector<16xf32>
      %sub3A_78 = arith.subf %exp3A_75, %sub3A_77 : vector<16xf32>
      %select_n3A_79 = arith.select %gt3A_71, %get3A_68, %sub3A_78 : vector<16xi1>, vector<16xf32>
      %swap3A_80 = arith.index_cast %mul3A_65 : i32 to index
      %swap3A_81 = tpu.vector_load %arg5[%swap3A_80] {strides = array<i32>} : memref<24000xf32, #tpu.memory_space<vmem>>, vector<16xf32>,
      %swap3A_82 = vector.shape_cast %swap3A_81 : vector<16xf32> to vector<16xf32>
      %swap3A_83 = vector.shape_cast %select_n3A_79 : vector<16xf32> to vector<16xf32>
      tpu.vector_store %arg5[%swap3A_80], %swap3A_83 {strides = array<i32>} : memref<24000xf32, #tpu.memory_space<vmem>>, vector<16xf32>,
      %mul3A_84 = arith.constant 10 : i32
      %mul3A_85 = arith.muli %scan3A_42, %mul3A_84 : i32
      %add3A_86 = arith.constant 2 : i32
      %add3A_87 = arith.addi %mul3A_85, %add3A_86 : i32
      %mul3A_88 = arith.constant 16 : i32
      %mul3A_89 = arith.muli %add3A_87, %mul3A_88 : i32
      %get3A_90 = arith.index_cast %mul3A_89 : i32 to index
      %get3A_91 = tpu.vector_load %arg4[%get3A_90] {strides = array<i32>} : memref<24000xf32, #tpu.memory_space<vmem>>, vector<16xf32>,
      %get3A_92 = vector.shape_cast %get3A_91 : vector<16xf32> to vector<16xf32>
      %gt3A_93 = arith.constant 0.000000e+00 : f32
      %gt3A_94 = vector.broadcast %gt3A_93 : f32 to vector<16xf32>
      %gt3A_95 = arith.cmpf ogt, %get3A_92, %gt3A_94 : vector<16xf32>
      %min3A_96 = arith.constant 0.000000e+00 : f32
      %min3A_97 = vector.broadcast %min3A_96 : f32 to vector<16xf32>
      %min3A_98 = arith.minimumf %get3A_92, %min3A_97 : vector<16xf32>
      %exp3A_99 = math.exp %min3A_98 : vector<16xf32>
      %sub3A_100 = arith.constant 1.000000e+00 : f32
      %sub3A_101 = vector.broadcast %sub3A_100 : f32 to vector<16xf32>
      %sub3A_102 = arith.subf %exp3A_99, %sub3A_101 : vector<16xf32>
      %select_n3A_103 = arith.select %gt3A_95, %get3A_92, %sub3A_102 : vector<16xi1>, vector<16xf32>
      %swap3A_104 = arith.index_cast %mul3A_89 : i32 to index
      %swap3A_105 = tpu.vector_load %arg5[%swap3A_104] {strides = array<i32>} : memref<24000xf32, #tpu.memory_space<vmem>>, vector<16xf32>,
      %swap3A_106 = vector.shape_cast %swap3A_105 : vector<16xf32> to vector<16xf32>
      %swap3A_107 = vector.shape_cast %select_n3A_103 : vector<16xf32> to vector<16xf32>
      tpu.vector_store %arg5[%swap3A_104], %swap3A_107 {strides = array<i32>} : memref<24000xf32, #tpu.memory_space<vmem>>, vector<16xf32>,
      %mul3A_108 = arith.constant 10 : i32
      %mul3A_109 = arith.muli %scan3A_42, %mul3A_108 : i32
      %add3A_110 = arith.constant 3 : i32
      %add3A_111 = arith.addi %mul3A_109, %add3A_110 : i32
      %mul3A_112 = arith.constant 16 : i32
      %mul3A_113 = arith.muli %add3A_111, %mul3A_112 : i32
      %get3A_114 = arith.index_cast %mul3A_113 : i32 to index
      %get3A_115 = tpu.vector_load %arg4[%get3A_114] {strides = array<i32>} : memref<24000xf32, #tpu.memory_space<vmem>>, vector<16xf32>,
      %get3A_116 = vector.shape_cast %get3A_115 : vector<16xf32> to vector<16xf32>
      %gt3A_117 = arith.constant 0.000000e+00 : f32
      %gt3A_118 = vector.broadcast %gt3A_117 : f32 to vector<16xf32>
      %gt3A_119 = arith.cmpf ogt, %get3A_116, %gt3A_118 : vector<16xf32>
      %min3A_120 = arith.constant 0.000000e+00 : f32
      %min3A_121 = vector.broadcast %min3A_120 : f32 to vector<16xf32>
      %min3A_122 = arith.minimumf %get3A_116, %min3A_121 : vector<16xf32>
      %exp3A_123 = math.exp %min3A_122 : vector<16xf32>
      %sub3A_124 = arith.constant 1.000000e+00 : f32
      %sub3A_125 = vector.broadcast %sub3A_124 : f32 to vector<16xf32>
      %sub3A_126 = arith.subf %exp3A_123, %sub3A_125 : vector<16xf32>
      %select_n3A_127 = arith.select %gt3A_119, %get3A_116, %sub3A_126 : vector<16xi1>, vector<16xf32>
      %swap3A_128 = arith.index_cast %mul3A_113 : i32 to index
      %swap3A_129 = tpu.vector_load %arg5[%swap3A_128] {strides = array<i32>} : memref<24000xf32, #tpu.memory_space<vmem>>, vector<16xf32>,
      %swap3A_130 = vector.shape_cast %swap3A_129 : vector<16xf32> to vector<16xf32>
      %swap3A_131 = vector.shape_cast %select_n3A_127 : vector<16xf32> to vector<16xf32>
      tpu.vector_store %arg5[%swap3A_128], %swap3A_131 {strides = array<i32>} : memref<24000xf32, #tpu.memory_space<vmem>>, vector<16xf32>,
      %mul3A_132 = arith.constant 10 : i32
      %mul3A_133 = arith.muli %scan3A_42, %mul3A_132 : i32
      %add3A_134 = arith.constant 4 : i32
      %add3A_135 = arith.addi %mul3A_133, %add3A_134 : i32
      %mul3A_136 = arith.constant 16 : i32
      %mul3A_137 = arith.muli %add3A_135, %mul3A_136 : i32
      %get3A_138 = arith.index_cast %mul3A_137 : i32 to index
      %get3A_139 = tpu.vector_load %arg4[%get3A_138] {strides = array<i32>} : memref<24000xf32, #tpu.memory_space<vmem>>, vector<16xf32>,
      %get3A_140 = vector.shape_cast %get3A_139 : vector<16xf32> to vector<16xf32>
      %gt3A_141 = arith.constant 0.000000e+00 : f32
      %gt3A_142 = vector.broadcast %gt3A_141 : f32 to vector<16xf32>
      %gt3A_143 = arith.cmpf ogt, %get3A_140, %gt3A_142 : vector<16xf32>
      %min3A_144 = arith.constant 0.000000e+00 : f32
      %min3A_145 = vector.broadcast %min3A_144 : f32 to vector<16xf32>
      %min3A_146 = arith.minimumf %get3A_140, %min3A_145 : vector<16xf32>
      %exp3A_147 = math.exp %min3A_146 : vector<16xf32>
      %sub3A_148 = arith.constant 1.000000e+00 : f32
      %sub3A_149 = vector.broadcast %sub3A_148 : f32 to vector<16xf32>
      %sub3A_150 = arith.subf %exp3A_147, %sub3A_149 : vector<16xf32>
      %select_n3A_151 = arith.select %gt3A_143, %get3A_140, %sub3A_150 : vector<16xi1>, vector<16xf32>
      %swap3A_152 = arith.index_cast %mul3A_137 : i32 to index
      %swap3A_153 = tpu.vector_load %arg5[%swap3A_152] {strides = array<i32>} : memref<24000xf32, #tpu.memory_space<vmem>>, vector<16xf32>,
      %swap3A_154 = vector.shape_cast %swap3A_153 : vector<16xf32> to vector<16xf32>
      %swap3A_155 = vector.shape_cast %select_n3A_151 : vector<16xf32> to vector<16xf32>
      tpu.vector_store %arg5[%swap3A_152], %swap3A_155 {strides = array<i32>} : memref<24000xf32, #tpu.memory_space<vmem>>, vector<16xf32>,
      %mul3A_156 = arith.constant 10 : i32
      %mul3A_157 = arith.muli %scan3A_42, %mul3A_156 : i32
      %add3A_158 = arith.constant 5 : i32
      %add3A_159 = arith.addi %mul3A_157, %add3A_158 : i32
      %mul3A_160 = arith.constant 16 : i32
      %mul3A_161 = arith.muli %add3A_159, %mul3A_160 : i32
      %get3A_162 = arith.index_cast %mul3A_161 : i32 to index
      %get3A_163 = tpu.vector_load %arg4[%get3A_162] {strides = array<i32>} : memref<24000xf32, #tpu.memory_space<vmem>>, vector<16xf32>,
      %get3A_164 = vector.shape_cast %get3A_163 : vector<16xf32> to vector<16xf32>
      %gt3A_165 = arith.constant 0.000000e+00 : f32
      %gt3A_166 = vector.broadcast %gt3A_165 : f32 to vector<16xf32>
      %gt3A_167 = arith.cmpf ogt, %get3A_164, %gt3A_166 : vector<16xf32>
      %min3A_168 = arith.constant 0.000000e+00 : f32
      %min3A_169 = vector.broadcast %min3A_168 : f32 to vector<16xf32>
      %min3A_170 = arith.minimumf %get3A_164, %min3A_169 : vector<16xf32>
      %exp3A_171 = math.exp %min3A_170 : vector<16xf32>
      %sub3A_172 = arith.constant 1.000000e+00 : f32
      %sub3A_173 = vector.broadcast %sub3A_172 : f32 to vector<16xf32>
      %sub3A_174 = arith.subf %exp3A_171, %sub3A_173 : vector<16xf32>
      %select_n3A_175 = arith.select %gt3A_167, %get3A_164, %sub3A_174 : vector<16xi1>, vector<16xf32>
      %swap3A_176 = arith.index_cast %mul3A_161 : i32 to index
      %swap3A_177 = tpu.vector_load %arg5[%swap3A_176] {strides = array<i32>} : memref<24000xf32, #tpu.memory_space<vmem>>, vector<16xf32>,
      %swap3A_178 = vector.shape_cast %swap3A_177 : vector<16xf32> to vector<16xf32>
      %swap3A_179 = vector.shape_cast %select_n3A_175 : vector<16xf32> to vector<16xf32>
      tpu.vector_store %arg5[%swap3A_176], %swap3A_179 {strides = array<i32>} : memref<24000xf32, #tpu.memory_space<vmem>>, vector<16xf32>,
      %mul3A_180 = arith.constant 10 : i32
      %mul3A_181 = arith.muli %scan3A_42, %mul3A_180 : i32
      %add3A_182 = arith.constant 6 : i32
      %add3A_183 = arith.addi %mul3A_181, %add3A_182 : i32
      %mul3A_184 = arith.constant 16 : i32
      %mul3A_185 = arith.muli %add3A_183, %mul3A_184 : i32
      %get3A_186 = arith.index_cast %mul3A_185 : i32 to index
      %get3A_187 = tpu.vector_load %arg4[%get3A_186] {strides = array<i32>} : memref<24000xf32, #tpu.memory_space<vmem>>, vector<16xf32>,
      %get3A_188 = vector.shape_cast %get3A_187 : vector<16xf32> to vector<16xf32>
      %gt3A_189 = arith.constant 0.000000e+00 : f32
      %gt3A_190 = vector.broadcast %gt3A_189 : f32 to vector<16xf32>
      %gt3A_191 = arith.cmpf ogt, %get3A_188, %gt3A_190 : vector<16xf32>
      %min3A_192 = arith.constant 0.000000e+00 : f32
      %min3A_193 = vector.broadcast %min3A_192 : f32 to vector<16xf32>
      %min3A_194 = arith.minimumf %get3A_188, %min3A_193 : vector<16xf32>
      %exp3A_195 = math.exp %min3A_194 : vector<16xf32>
      %sub3A_196 = arith.constant 1.000000e+00 : f32
      %sub3A_197 = vector.broadcast %sub3A_196 : f32 to vector<16xf32>
      %sub3A_198 = arith.subf %exp3A_195, %sub3A_197 : vector<16xf32>
      %select_n3A_199 = arith.select %gt3A_191, %get3A_188, %sub3A_198 : vector<16xi1>, vector<16xf32>
      %swap3A_200 = arith.index_cast %mul3A_185 : i32 to index
      %swap3A_201 = tpu.vector_load %arg5[%swap3A_200] {strides = array<i32>} : memref<24000xf32, #tpu.memory_space<vmem>>, vector<16xf32>,
      %swap3A_202 = vector.shape_cast %swap3A_201 : vector<16xf32> to vector<16xf32>
      %swap3A_203 = vector.shape_cast %select_n3A_199 : vector<16xf32> to vector<16xf32>
      tpu.vector_store %arg5[%swap3A_200], %swap3A_203 {strides = array<i32>} : memref<24000xf32, #tpu.memory_space<vmem>>, vector<16xf32>,
      %mul3A_204 = arith.constant 10 : i32
      %mul3A_205 = arith.muli %scan3A_42, %mul3A_204 : i32
      %add3A_206 = arith.constant 7 : i32
      %add3A_207 = arith.addi %mul3A_205, %add3A_206 : i32
      %mul3A_208 = arith.constant 16 : i32
      %mul3A_209 = arith.muli %add3A_207, %mul3A_208 : i32
      %get3A_210 = arith.index_cast %mul3A_209 : i32 to index
      %get3A_211 = tpu.vector_load %arg4[%get3A_210] {strides = array<i32>} : memref<24000xf32, #tpu.memory_space<vmem>>, vector<16xf32>,
      %get3A_212 = vector.shape_cast %get3A_211 : vector<16xf32> to vector<16xf32>
      %gt3A_213 = arith.constant 0.000000e+00 : f32
      %gt3A_214 = vector.broadcast %gt3A_213 : f32 to vector<16xf32>
      %gt3A_215 = arith.cmpf ogt, %get3A_212, %gt3A_214 : vector<16xf32>
      %min3A_216 = arith.constant 0.000000e+00 : f32
      %min3A_217 = vector.broadcast %min3A_216 : f32 to vector<16xf32>
      %min3A_218 = arith.minimumf %get3A_212, %min3A_217 : vector<16xf32>
      %exp3A_219 = math.exp %min3A_218 : vector<16xf32>
      %sub3A_220 = arith.constant 1.000000e+00 : f32
      %sub3A_221 = vector.broadcast %sub3A_220 : f32 to vector<16xf32>
      %sub3A_222 = arith.subf %exp3A_219, %sub3A_221 : vector<16xf32>
      %select_n3A_223 = arith.select %gt3A_215, %get3A_212, %sub3A_222 : vector<16xi1>, vector<16xf32>
      %swap3A_224 = arith.index_cast %mul3A_209 : i32 to index
      %swap3A_225 = tpu.vector_load %arg5[%swap3A_224] {strides = array<i32>} : memref<24000xf32, #tpu.memory_space<vmem>>, vector<16xf32>,
      %swap3A_226 = vector.shape_cast %swap3A_225 : vector<16xf32> to vector<16xf32>
      %swap3A_227 = vector.shape_cast %select_n3A_223 : vector<16xf32> to vector<16xf32>
      tpu.vector_store %arg5[%swap3A_224], %swap3A_227 {strides = array<i32>} : memref<24000xf32, #tpu.memory_space<vmem>>, vector<16xf32>,
      %mul3A_228 = arith.constant 10 : i32
      %mul3A_229 = arith.muli %scan3A_42, %mul3A_228 : i32
      %add3A_230 = arith.constant 8 : i32
      %add3A_231 = arith.addi %mul3A_229, %add3A_230 : i32
      %mul3A_232 = arith.constant 16 : i32
      %mul3A_233 = arith.muli %add3A_231, %mul3A_232 : i32
      %get3A_234 = arith.index_cast %mul3A_233 : i32 to index
      %get3A_235 = tpu.vector_load %arg4[%get3A_234] {strides = array<i32>} : memref<24000xf32, #tpu.memory_space<vmem>>, vector<16xf32>,
      %get3A_236 = vector.shape_cast %get3A_235 : vector<16xf32> to vector<16xf32>
      %gt3A_237 = arith.constant 0.000000e+00 : f32
      %gt3A_238 = vector.broadcast %gt3A_237 : f32 to vector<16xf32>
      %gt3A_239 = arith.cmpf ogt, %get3A_236, %gt3A_238 : vector<16xf32>
      %min3A_240 = arith.constant 0.000000e+00 : f32
      %min3A_241 = vector.broadcast %min3A_240 : f32 to vector<16xf32>
      %min3A_242 = arith.minimumf %get3A_236, %min3A_241 : vector<16xf32>
      %exp3A_243 = math.exp %min3A_242 : vector<16xf32>
      %sub3A_244 = arith.constant 1.000000e+00 : f32
      %sub3A_245 = vector.broadcast %sub3A_244 : f32 to vector<16xf32>
      %sub3A_246 = arith.subf %exp3A_243, %sub3A_245 : vector<16xf32>
      %select_n3A_247 = arith.select %gt3A_239, %get3A_236, %sub3A_246 : vector<16xi1>, vector<16xf32>
      %swap3A_248 = arith.index_cast %mul3A_233 : i32 to index
      %swap3A_249 = tpu.vector_load %arg5[%swap3A_248] {strides = array<i32>} : memref<24000xf32, #tpu.memory_space<vmem>>, vector<16xf32>,
      %swap3A_250 = vector.shape_cast %swap3A_249 : vector<16xf32> to vector<16xf32>
      %swap3A_251 = vector.shape_cast %select_n3A_247 : vector<16xf32> to vector<16xf32>
      tpu.vector_store %arg5[%swap3A_248], %swap3A_251 {strides = array<i32>} : memref<24000xf32, #tpu.memory_space<vmem>>, vector<16xf32>,
      %mul3A_252 = arith.constant 10 : i32
      %mul3A_253 = arith.muli %scan3A_42, %mul3A_252 : i32
      %add3A_254 = arith.constant 9 : i32
      %add3A_255 = arith.addi %mul3A_253, %add3A_254 : i32
      %mul3A_256 = arith.constant 16 : i32
      %mul3A_257 = arith.muli %add3A_255, %mul3A_256 : i32
      %get3A_258 = arith.index_cast %mul3A_257 : i32 to index
      %get3A_259 = tpu.vector_load %arg4[%get3A_258] {strides = array<i32>} : memref<24000xf32, #tpu.memory_space<vmem>>, vector<16xf32>,
      %get3A_260 = vector.shape_cast %get3A_259 : vector<16xf32> to vector<16xf32>
      %gt3A_261 = arith.constant 0.000000e+00 : f32
      %gt3A_262 = vector.broadcast %gt3A_261 : f32 to vector<16xf32>
      %gt3A_263 = arith.cmpf ogt, %get3A_260, %gt3A_262 : vector<16xf32>
      %min3A_264 = arith.constant 0.000000e+00 : f32
      %min3A_265 = vector.broadcast %min3A_264 : f32 to vector<16xf32>
      %min3A_266 = arith.minimumf %get3A_260, %min3A_265 : vector<16xf32>
      %exp3A_267 = math.exp %min3A_266 : vector<16xf32>
      %sub3A_268 = arith.constant 1.000000e+00 : f32
      %sub3A_269 = vector.broadcast %sub3A_268 : f32 to vector<16xf32>
      %sub3A_270 = arith.subf %exp3A_267, %sub3A_269 : vector<16xf32>
      %select_n3A_271 = arith.select %gt3A_263, %get3A_260, %sub3A_270 : vector<16xi1>, vector<16xf32>
      %swap3A_272 = arith.index_cast %mul3A_257 : i32 to index
      %swap3A_273 = tpu.vector_load %arg5[%swap3A_272] {strides = array<i32>} : memref<24000xf32, #tpu.memory_space<vmem>>, vector<16xf32>,
      %swap3A_274 = vector.shape_cast %swap3A_273 : vector<16xf32> to vector<16xf32>
      %swap3A_275 = vector.shape_cast %select_n3A_271 : vector<16xf32> to vector<16xf32>
      tpu.vector_store %arg5[%swap3A_272], %swap3A_275 {strides = array<i32>} : memref<24000xf32, #tpu.memory_space<vmem>>, vector<16xf32>,
    }
    %scan3A_17 = arith.constant 150 : i32
    "tpu.region"() ({
      %run_scoped3A = tpu.sem_alloc : memref<!tpu.dma_semaphore, #tpu.memory_space<semaphore_mem>>
      %dma_start3A = tpu.memref_slice %arg3[%add3A_11] : memref<3840000xf32, #tpu.memory_space<hbm>> -> memref<24000xf32, #tpu.memory_space<hbm>>
      %dma_start3A_42 = tpu.memref_slice %arg3[%add3A_11] : memref<3840000xf32, #tpu.memory_space<hbm>> -> memref<24000xf32, #tpu.memory_space<hbm>>
      tpu.enqueue_dma source(%arg5 : memref<24000xf32, #tpu.memory_space<vmem>>) target(%dma_start3A_42 : memref<24000xf32, #tpu.memory_space<hbm>>) target_semaphore(%run_scoped3A : memref<!tpu.dma_semaphore, #tpu.memory_space<semaphore_mem>>)
      %dma_wait3A = tpu.memref_slice %arg3[%add3A_11] : memref<3840000xf32, #tpu.memory_space<hbm>> -> memref<24000xf32, #tpu.memory_space<hbm>>
      %dma_wait3A_43 = tpu.memref_slice %arg3[%add3A_11] : memref<3840000xf32, #tpu.memory_space<hbm>> -> memref<24000xf32, #tpu.memory_space<hbm>>
      tpu.wait_dma2 semaphore(%run_scoped3A : memref<!tpu.dma_semaphore, #tpu.memory_space<semaphore_mem>>) src(%arg5 : memref<24000xf32, #tpu.memory_space<vmem>>) dst(%dma_wait3A_43 : memref<24000xf32, #tpu.memory_space<hbm>>)
      tpu.yield
    }) : () -> ()
    %add3A_18 = arith.constant 48000 : i32
    %add3A_19 = arith.addi %mul3A_2, %add3A_18 : i32
    "tpu.region"() ({
      %run_scoped3A = tpu.sem_alloc : memref<!tpu.dma_semaphore, #tpu.memory_space<semaphore_mem>>
      %dma_start3A = tpu.memref_slice %arg2[%add3A_19] : memref<3840000xf32, #tpu.memory_space<hbm>> -> memref<24000xf32, #tpu.memory_space<hbm>>
      %dma_start3A_42 = tpu.memref_slice %arg2[%add3A_19] : memref<3840000xf32, #tpu.memory_space<hbm>> -> memref<24000xf32, #tpu.memory_space<hbm>>
      tpu.enqueue_dma source(%dma_start3A_42 : memref<24000xf32, #tpu.memory_space<hbm>>) target(%arg4 : memref<24000xf32, #tpu.memory_space<vmem>>) target_semaphore(%run_scoped3A : memref<!tpu.dma_semaphore, #tpu.memory_space<semaphore_mem>>)
      %dma_wait3A = tpu.memref_slice %arg2[%add3A_19] : memref<3840000xf32, #tpu.memory_space<hbm>> -> memref<24000xf32, #tpu.memory_space<hbm>>
      %dma_wait3A_43 = tpu.memref_slice %arg2[%add3A_19] : memref<3840000xf32, #tpu.memory_space<hbm>> -> memref<24000xf32, #tpu.memory_space<hbm>>
      tpu.wait_dma2 semaphore(%run_scoped3A : memref<!tpu.dma_semaphore, #tpu.memory_space<semaphore_mem>>) src(%dma_wait3A_43 : memref<24000xf32, #tpu.memory_space<hbm>>) dst(%arg4 : memref<24000xf32, #tpu.memory_space<vmem>>)
      tpu.yield
    }) : () -> ()
    %scan3A_20 = arith.constant 0 : i32
    %scan3A_21 = arith.constant 0 : i32
    %scan3A_22 = arith.constant 150 : i32
    %scan3A_23 = arith.addi %scan3A_21, %scan3A_22 : i32
    %scan3A_24 = arith.constant 1 : i32
    scf.for %scan3A_42 = %scan3A_21 to %scan3A_23 step %scan3A_24  : i32 {
      %mul3A_43 = arith.constant 10 : i32
      %mul3A_44 = arith.muli %scan3A_42, %mul3A_43 : i32
      %add3A_45 = arith.constant 0 : i32
      %add3A_46 = arith.addi %mul3A_44, %add3A_45 : i32
      %mul3A_47 = arith.constant 16 : i32
      %mul3A_48 = arith.muli %add3A_46, %mul3A_47 : i32
      %get3A = arith.index_cast %mul3A_48 : i32 to index
      %get3A_49 = tpu.vector_load %arg4[%get3A] {strides = array<i32>} : memref<24000xf32, #tpu.memory_space<vmem>>, vector<16xf32>,
      %get3A_50 = vector.shape_cast %get3A_49 : vector<16xf32> to vector<16xf32>
      %gt3A = arith.constant 0.000000e+00 : f32
      %gt3A_51 = vector.broadcast %gt3A : f32 to vector<16xf32>
      %gt3A_52 = arith.cmpf ogt, %get3A_50, %gt3A_51 : vector<16xf32>
      %min3A = arith.constant 0.000000e+00 : f32
      %min3A_53 = vector.broadcast %min3A : f32 to vector<16xf32>
      %min3A_54 = arith.minimumf %get3A_50, %min3A_53 : vector<16xf32>
      %exp3A = math.exp %min3A_54 : vector<16xf32>
      %sub3A = arith.constant 1.000000e+00 : f32
      %sub3A_55 = vector.broadcast %sub3A : f32 to vector<16xf32>
      %sub3A_56 = arith.subf %exp3A, %sub3A_55 : vector<16xf32>
      %select_n3A = arith.select %gt3A_52, %get3A_50, %sub3A_56 : vector<16xi1>, vector<16xf32>
      %swap3A = arith.index_cast %mul3A_48 : i32 to index
      %swap3A_57 = tpu.vector_load %arg5[%swap3A] {strides = array<i32>} : memref<24000xf32, #tpu.memory_space<vmem>>, vector<16xf32>,
      %swap3A_58 = vector.shape_cast %swap3A_57 : vector<16xf32> to vector<16xf32>
      %swap3A_59 = vector.shape_cast %select_n3A : vector<16xf32> to vector<16xf32>
      tpu.vector_store %arg5[%swap3A], %swap3A_59 {strides = array<i32>} : memref<24000xf32, #tpu.memory_space<vmem>>, vector<16xf32>,
      %mul3A_60 = arith.constant 10 : i32
      %mul3A_61 = arith.muli %scan3A_42, %mul3A_60 : i32
      %add3A_62 = arith.constant 1 : i32
      %add3A_63 = arith.addi %mul3A_61, %add3A_62 : i32
      %mul3A_64 = arith.constant 16 : i32
      %mul3A_65 = arith.muli %add3A_63, %mul3A_64 : i32
      %get3A_66 = arith.index_cast %mul3A_65 : i32 to index
      %get3A_67 = tpu.vector_load %arg4[%get3A_66] {strides = array<i32>} : memref<24000xf32, #tpu.memory_space<vmem>>, vector<16xf32>,
      %get3A_68 = vector.shape_cast %get3A_67 : vector<16xf32> to vector<16xf32>
      %gt3A_69 = arith.constant 0.000000e+00 : f32
      %gt3A_70 = vector.broadcast %gt3A_69 : f32 to vector<16xf32>
      %gt3A_71 = arith.cmpf ogt, %get3A_68, %gt3A_70 : vector<16xf32>
      %min3A_72 = arith.constant 0.000000e+00 : f32
      %min3A_73 = vector.broadcast %min3A_72 : f32 to vector<16xf32>
      %min3A_74 = arith.minimumf %get3A_68, %min3A_73 : vector<16xf32>
      %exp3A_75 = math.exp %min3A_74 : vector<16xf32>
      %sub3A_76 = arith.constant 1.000000e+00 : f32
      %sub3A_77 = vector.broadcast %sub3A_76 : f32 to vector<16xf32>
      %sub3A_78 = arith.subf %exp3A_75, %sub3A_77 : vector<16xf32>
      %select_n3A_79 = arith.select %gt3A_71, %get3A_68, %sub3A_78 : vector<16xi1>, vector<16xf32>
      %swap3A_80 = arith.index_cast %mul3A_65 : i32 to index
      %swap3A_81 = tpu.vector_load %arg5[%swap3A_80] {strides = array<i32>} : memref<24000xf32, #tpu.memory_space<vmem>>, vector<16xf32>,
      %swap3A_82 = vector.shape_cast %swap3A_81 : vector<16xf32> to vector<16xf32>
      %swap3A_83 = vector.shape_cast %select_n3A_79 : vector<16xf32> to vector<16xf32>
      tpu.vector_store %arg5[%swap3A_80], %swap3A_83 {strides = array<i32>} : memref<24000xf32, #tpu.memory_space<vmem>>, vector<16xf32>,
      %mul3A_84 = arith.constant 10 : i32
      %mul3A_85 = arith.muli %scan3A_42, %mul3A_84 : i32
      %add3A_86 = arith.constant 2 : i32
      %add3A_87 = arith.addi %mul3A_85, %add3A_86 : i32
      %mul3A_88 = arith.constant 16 : i32
      %mul3A_89 = arith.muli %add3A_87, %mul3A_88 : i32
      %get3A_90 = arith.index_cast %mul3A_89 : i32 to index
      %get3A_91 = tpu.vector_load %arg4[%get3A_90] {strides = array<i32>} : memref<24000xf32, #tpu.memory_space<vmem>>, vector<16xf32>,
      %get3A_92 = vector.shape_cast %get3A_91 : vector<16xf32> to vector<16xf32>
      %gt3A_93 = arith.constant 0.000000e+00 : f32
      %gt3A_94 = vector.broadcast %gt3A_93 : f32 to vector<16xf32>
      %gt3A_95 = arith.cmpf ogt, %get3A_92, %gt3A_94 : vector<16xf32>
      %min3A_96 = arith.constant 0.000000e+00 : f32
      %min3A_97 = vector.broadcast %min3A_96 : f32 to vector<16xf32>
      %min3A_98 = arith.minimumf %get3A_92, %min3A_97 : vector<16xf32>
      %exp3A_99 = math.exp %min3A_98 : vector<16xf32>
      %sub3A_100 = arith.constant 1.000000e+00 : f32
      %sub3A_101 = vector.broadcast %sub3A_100 : f32 to vector<16xf32>
      %sub3A_102 = arith.subf %exp3A_99, %sub3A_101 : vector<16xf32>
      %select_n3A_103 = arith.select %gt3A_95, %get3A_92, %sub3A_102 : vector<16xi1>, vector<16xf32>
      %swap3A_104 = arith.index_cast %mul3A_89 : i32 to index
      %swap3A_105 = tpu.vector_load %arg5[%swap3A_104] {strides = array<i32>} : memref<24000xf32, #tpu.memory_space<vmem>>, vector<16xf32>,
      %swap3A_106 = vector.shape_cast %swap3A_105 : vector<16xf32> to vector<16xf32>
      %swap3A_107 = vector.shape_cast %select_n3A_103 : vector<16xf32> to vector<16xf32>
      tpu.vector_store %arg5[%swap3A_104], %swap3A_107 {strides = array<i32>} : memref<24000xf32, #tpu.memory_space<vmem>>, vector<16xf32>,
      %mul3A_108 = arith.constant 10 : i32
      %mul3A_109 = arith.muli %scan3A_42, %mul3A_108 : i32
      %add3A_110 = arith.constant 3 : i32
      %add3A_111 = arith.addi %mul3A_109, %add3A_110 : i32
      %mul3A_112 = arith.constant 16 : i32
      %mul3A_113 = arith.muli %add3A_111, %mul3A_112 : i32
      %get3A_114 = arith.index_cast %mul3A_113 : i32 to index
      %get3A_115 = tpu.vector_load %arg4[%get3A_114] {strides = array<i32>} : memref<24000xf32, #tpu.memory_space<vmem>>, vector<16xf32>,
      %get3A_116 = vector.shape_cast %get3A_115 : vector<16xf32> to vector<16xf32>
      %gt3A_117 = arith.constant 0.000000e+00 : f32
      %gt3A_118 = vector.broadcast %gt3A_117 : f32 to vector<16xf32>
      %gt3A_119 = arith.cmpf ogt, %get3A_116, %gt3A_118 : vector<16xf32>
      %min3A_120 = arith.constant 0.000000e+00 : f32
      %min3A_121 = vector.broadcast %min3A_120 : f32 to vector<16xf32>
      %min3A_122 = arith.minimumf %get3A_116, %min3A_121 : vector<16xf32>
      %exp3A_123 = math.exp %min3A_122 : vector<16xf32>
      %sub3A_124 = arith.constant 1.000000e+00 : f32
      %sub3A_125 = vector.broadcast %sub3A_124 : f32 to vector<16xf32>
      %sub3A_126 = arith.subf %exp3A_123, %sub3A_125 : vector<16xf32>
      %select_n3A_127 = arith.select %gt3A_119, %get3A_116, %sub3A_126 : vector<16xi1>, vector<16xf32>
      %swap3A_128 = arith.index_cast %mul3A_113 : i32 to index
      %swap3A_129 = tpu.vector_load %arg5[%swap3A_128] {strides = array<i32>} : memref<24000xf32, #tpu.memory_space<vmem>>, vector<16xf32>,
      %swap3A_130 = vector.shape_cast %swap3A_129 : vector<16xf32> to vector<16xf32>
      %swap3A_131 = vector.shape_cast %select_n3A_127 : vector<16xf32> to vector<16xf32>
      tpu.vector_store %arg5[%swap3A_128], %swap3A_131 {strides = array<i32>} : memref<24000xf32, #tpu.memory_space<vmem>>, vector<16xf32>,
      %mul3A_132 = arith.constant 10 : i32
      %mul3A_133 = arith.muli %scan3A_42, %mul3A_132 : i32
      %add3A_134 = arith.constant 4 : i32
      %add3A_135 = arith.addi %mul3A_133, %add3A_134 : i32
      %mul3A_136 = arith.constant 16 : i32
      %mul3A_137 = arith.muli %add3A_135, %mul3A_136 : i32
      %get3A_138 = arith.index_cast %mul3A_137 : i32 to index
      %get3A_139 = tpu.vector_load %arg4[%get3A_138] {strides = array<i32>} : memref<24000xf32, #tpu.memory_space<vmem>>, vector<16xf32>,
      %get3A_140 = vector.shape_cast %get3A_139 : vector<16xf32> to vector<16xf32>
      %gt3A_141 = arith.constant 0.000000e+00 : f32
      %gt3A_142 = vector.broadcast %gt3A_141 : f32 to vector<16xf32>
      %gt3A_143 = arith.cmpf ogt, %get3A_140, %gt3A_142 : vector<16xf32>
      %min3A_144 = arith.constant 0.000000e+00 : f32
      %min3A_145 = vector.broadcast %min3A_144 : f32 to vector<16xf32>
      %min3A_146 = arith.minimumf %get3A_140, %min3A_145 : vector<16xf32>
      %exp3A_147 = math.exp %min3A_146 : vector<16xf32>
      %sub3A_148 = arith.constant 1.000000e+00 : f32
      %sub3A_149 = vector.broadcast %sub3A_148 : f32 to vector<16xf32>
      %sub3A_150 = arith.subf %exp3A_147, %sub3A_149 : vector<16xf32>
      %select_n3A_151 = arith.select %gt3A_143, %get3A_140, %sub3A_150 : vector<16xi1>, vector<16xf32>
      %swap3A_152 = arith.index_cast %mul3A_137 : i32 to index
      %swap3A_153 = tpu.vector_load %arg5[%swap3A_152] {strides = array<i32>} : memref<24000xf32, #tpu.memory_space<vmem>>, vector<16xf32>,
      %swap3A_154 = vector.shape_cast %swap3A_153 : vector<16xf32> to vector<16xf32>
      %swap3A_155 = vector.shape_cast %select_n3A_151 : vector<16xf32> to vector<16xf32>
      tpu.vector_store %arg5[%swap3A_152], %swap3A_155 {strides = array<i32>} : memref<24000xf32, #tpu.memory_space<vmem>>, vector<16xf32>,
      %mul3A_156 = arith.constant 10 : i32
      %mul3A_157 = arith.muli %scan3A_42, %mul3A_156 : i32
      %add3A_158 = arith.constant 5 : i32
      %add3A_159 = arith.addi %mul3A_157, %add3A_158 : i32
      %mul3A_160 = arith.constant 16 : i32
      %mul3A_161 = arith.muli %add3A_159, %mul3A_160 : i32
      %get3A_162 = arith.index_cast %mul3A_161 : i32 to index
      %get3A_163 = tpu.vector_load %arg4[%get3A_162] {strides = array<i32>} : memref<24000xf32, #tpu.memory_space<vmem>>, vector<16xf32>,
      %get3A_164 = vector.shape_cast %get3A_163 : vector<16xf32> to vector<16xf32>
      %gt3A_165 = arith.constant 0.000000e+00 : f32
      %gt3A_166 = vector.broadcast %gt3A_165 : f32 to vector<16xf32>
      %gt3A_167 = arith.cmpf ogt, %get3A_164, %gt3A_166 : vector<16xf32>
      %min3A_168 = arith.constant 0.000000e+00 : f32
      %min3A_169 = vector.broadcast %min3A_168 : f32 to vector<16xf32>
      %min3A_170 = arith.minimumf %get3A_164, %min3A_169 : vector<16xf32>
      %exp3A_171 = math.exp %min3A_170 : vector<16xf32>
      %sub3A_172 = arith.constant 1.000000e+00 : f32
      %sub3A_173 = vector.broadcast %sub3A_172 : f32 to vector<16xf32>
      %sub3A_174 = arith.subf %exp3A_171, %sub3A_173 : vector<16xf32>
      %select_n3A_175 = arith.select %gt3A_167, %get3A_164, %sub3A_174 : vector<16xi1>, vector<16xf32>
      %swap3A_176 = arith.index_cast %mul3A_161 : i32 to index
      %swap3A_177 = tpu.vector_load %arg5[%swap3A_176] {strides = array<i32>} : memref<24000xf32, #tpu.memory_space<vmem>>, vector<16xf32>,
      %swap3A_178 = vector.shape_cast %swap3A_177 : vector<16xf32> to vector<16xf32>
      %swap3A_179 = vector.shape_cast %select_n3A_175 : vector<16xf32> to vector<16xf32>
      tpu.vector_store %arg5[%swap3A_176], %swap3A_179 {strides = array<i32>} : memref<24000xf32, #tpu.memory_space<vmem>>, vector<16xf32>,
      %mul3A_180 = arith.constant 10 : i32
      %mul3A_181 = arith.muli %scan3A_42, %mul3A_180 : i32
      %add3A_182 = arith.constant 6 : i32
      %add3A_183 = arith.addi %mul3A_181, %add3A_182 : i32
      %mul3A_184 = arith.constant 16 : i32
      %mul3A_185 = arith.muli %add3A_183, %mul3A_184 : i32
      %get3A_186 = arith.index_cast %mul3A_185 : i32 to index
      %get3A_187 = tpu.vector_load %arg4[%get3A_186] {strides = array<i32>} : memref<24000xf32, #tpu.memory_space<vmem>>, vector<16xf32>,
      %get3A_188 = vector.shape_cast %get3A_187 : vector<16xf32> to vector<16xf32>
      %gt3A_189 = arith.constant 0.000000e+00 : f32
      %gt3A_190 = vector.broadcast %gt3A_189 : f32 to vector<16xf32>
      %gt3A_191 = arith.cmpf ogt, %get3A_188, %gt3A_190 : vector<16xf32>
      %min3A_192 = arith.constant 0.000000e+00 : f32
      %min3A_193 = vector.broadcast %min3A_192 : f32 to vector<16xf32>
      %min3A_194 = arith.minimumf %get3A_188, %min3A_193 : vector<16xf32>
      %exp3A_195 = math.exp %min3A_194 : vector<16xf32>
      %sub3A_196 = arith.constant 1.000000e+00 : f32
      %sub3A_197 = vector.broadcast %sub3A_196 : f32 to vector<16xf32>
      %sub3A_198 = arith.subf %exp3A_195, %sub3A_197 : vector<16xf32>
      %select_n3A_199 = arith.select %gt3A_191, %get3A_188, %sub3A_198 : vector<16xi1>, vector<16xf32>
      %swap3A_200 = arith.index_cast %mul3A_185 : i32 to index
      %swap3A_201 = tpu.vector_load %arg5[%swap3A_200] {strides = array<i32>} : memref<24000xf32, #tpu.memory_space<vmem>>, vector<16xf32>,
      %swap3A_202 = vector.shape_cast %swap3A_201 : vector<16xf32> to vector<16xf32>
      %swap3A_203 = vector.shape_cast %select_n3A_199 : vector<16xf32> to vector<16xf32>
      tpu.vector_store %arg5[%swap3A_200], %swap3A_203 {strides = array<i32>} : memref<24000xf32, #tpu.memory_space<vmem>>, vector<16xf32>,
      %mul3A_204 = arith.constant 10 : i32
      %mul3A_205 = arith.muli %scan3A_42, %mul3A_204 : i32
      %add3A_206 = arith.constant 7 : i32
      %add3A_207 = arith.addi %mul3A_205, %add3A_206 : i32
      %mul3A_208 = arith.constant 16 : i32
      %mul3A_209 = arith.muli %add3A_207, %mul3A_208 : i32
      %get3A_210 = arith.index_cast %mul3A_209 : i32 to index
      %get3A_211 = tpu.vector_load %arg4[%get3A_210] {strides = array<i32>} : memref<24000xf32, #tpu.memory_space<vmem>>, vector<16xf32>,
      %get3A_212 = vector.shape_cast %get3A_211 : vector<16xf32> to vector<16xf32>
      %gt3A_213 = arith.constant 0.000000e+00 : f32
      %gt3A_214 = vector.broadcast %gt3A_213 : f32 to vector<16xf32>
      %gt3A_215 = arith.cmpf ogt, %get3A_212, %gt3A_214 : vector<16xf32>
      %min3A_216 = arith.constant 0.000000e+00 : f32
      %min3A_217 = vector.broadcast %min3A_216 : f32 to vector<16xf32>
      %min3A_218 = arith.minimumf %get3A_212, %min3A_217 : vector<16xf32>
      %exp3A_219 = math.exp %min3A_218 : vector<16xf32>
      %sub3A_220 = arith.constant 1.000000e+00 : f32
      %sub3A_221 = vector.broadcast %sub3A_220 : f32 to vector<16xf32>
      %sub3A_222 = arith.subf %exp3A_219, %sub3A_221 : vector<16xf32>
      %select_n3A_223 = arith.select %gt3A_215, %get3A_212, %sub3A_222 : vector<16xi1>, vector<16xf32>
      %swap3A_224 = arith.index_cast %mul3A_209 : i32 to index
      %swap3A_225 = tpu.vector_load %arg5[%swap3A_224] {strides = array<i32>} : memref<24000xf32, #tpu.memory_space<vmem>>, vector<16xf32>,
      %swap3A_226 = vector.shape_cast %swap3A_225 : vector<16xf32> to vector<16xf32>
      %swap3A_227 = vector.shape_cast %select_n3A_223 : vector<16xf32> to vector<16xf32>
      tpu.vector_store %arg5[%swap3A_224], %swap3A_227 {strides = array<i32>} : memref<24000xf32, #tpu.memory_space<vmem>>, vector<16xf32>,
      %mul3A_228 = arith.constant 10 : i32
      %mul3A_229 = arith.muli %scan3A_42, %mul3A_228 : i32
      %add3A_230 = arith.constant 8 : i32
      %add3A_231 = arith.addi %mul3A_229, %add3A_230 : i32
      %mul3A_232 = arith.constant 16 : i32
      %mul3A_233 = arith.muli %add3A_231, %mul3A_232 : i32
      %get3A_234 = arith.index_cast %mul3A_233 : i32 to index
      %get3A_235 = tpu.vector_load %arg4[%get3A_234] {strides = array<i32>} : memref<24000xf32, #tpu.memory_space<vmem>>, vector<16xf32>,
      %get3A_236 = vector.shape_cast %get3A_235 : vector<16xf32> to vector<16xf32>
      %gt3A_237 = arith.constant 0.000000e+00 : f32
      %gt3A_238 = vector.broadcast %gt3A_237 : f32 to vector<16xf32>
      %gt3A_239 = arith.cmpf ogt, %get3A_236, %gt3A_238 : vector<16xf32>
      %min3A_240 = arith.constant 0.000000e+00 : f32
      %min3A_241 = vector.broadcast %min3A_240 : f32 to vector<16xf32>
      %min3A_242 = arith.minimumf %get3A_236, %min3A_241 : vector<16xf32>
      %exp3A_243 = math.exp %min3A_242 : vector<16xf32>
      %sub3A_244 = arith.constant 1.000000e+00 : f32
      %sub3A_245 = vector.broadcast %sub3A_244 : f32 to vector<16xf32>
      %sub3A_246 = arith.subf %exp3A_243, %sub3A_245 : vector<16xf32>
      %select_n3A_247 = arith.select %gt3A_239, %get3A_236, %sub3A_246 : vector<16xi1>, vector<16xf32>
      %swap3A_248 = arith.index_cast %mul3A_233 : i32 to index
      %swap3A_249 = tpu.vector_load %arg5[%swap3A_248] {strides = array<i32>} : memref<24000xf32, #tpu.memory_space<vmem>>, vector<16xf32>,
      %swap3A_250 = vector.shape_cast %swap3A_249 : vector<16xf32> to vector<16xf32>
      %swap3A_251 = vector.shape_cast %select_n3A_247 : vector<16xf32> to vector<16xf32>
      tpu.vector_store %arg5[%swap3A_248], %swap3A_251 {strides = array<i32>} : memref<24000xf32, #tpu.memory_space<vmem>>, vector<16xf32>,
      %mul3A_252 = arith.constant 10 : i32
      %mul3A_253 = arith.muli %scan3A_42, %mul3A_252 : i32
      %add3A_254 = arith.constant 9 : i32
      %add3A_255 = arith.addi %mul3A_253, %add3A_254 : i32
      %mul3A_256 = arith.constant 16 : i32
      %mul3A_257 = arith.muli %add3A_255, %mul3A_256 : i32
      %get3A_258 = arith.index_cast %mul3A_257 : i32 to index
      %get3A_259 = tpu.vector_load %arg4[%get3A_258] {strides = array<i32>} : memref<24000xf32, #tpu.memory_space<vmem>>, vector<16xf32>,
      %get3A_260 = vector.shape_cast %get3A_259 : vector<16xf32> to vector<16xf32>
      %gt3A_261 = arith.constant 0.000000e+00 : f32
      %gt3A_262 = vector.broadcast %gt3A_261 : f32 to vector<16xf32>
      %gt3A_263 = arith.cmpf ogt, %get3A_260, %gt3A_262 : vector<16xf32>
      %min3A_264 = arith.constant 0.000000e+00 : f32
      %min3A_265 = vector.broadcast %min3A_264 : f32 to vector<16xf32>
      %min3A_266 = arith.minimumf %get3A_260, %min3A_265 : vector<16xf32>
      %exp3A_267 = math.exp %min3A_266 : vector<16xf32>
      %sub3A_268 = arith.constant 1.000000e+00 : f32
      %sub3A_269 = vector.broadcast %sub3A_268 : f32 to vector<16xf32>
      %sub3A_270 = arith.subf %exp3A_267, %sub3A_269 : vector<16xf32>
      %select_n3A_271 = arith.select %gt3A_263, %get3A_260, %sub3A_270 : vector<16xi1>, vector<16xf32>
      %swap3A_272 = arith.index_cast %mul3A_257 : i32 to index
      %swap3A_273 = tpu.vector_load %arg5[%swap3A_272] {strides = array<i32>} : memref<24000xf32, #tpu.memory_space<vmem>>, vector<16xf32>,
      %swap3A_274 = vector.shape_cast %swap3A_273 : vector<16xf32> to vector<16xf32>
      %swap3A_275 = vector.shape_cast %select_n3A_271 : vector<16xf32> to vector<16xf32>
      tpu.vector_store %arg5[%swap3A_272], %swap3A_275 {strides = array<i32>} : memref<24000xf32, #tpu.memory_space<vmem>>, vector<16xf32>,
    }
    %scan3A_25 = arith.constant 150 : i32
    "tpu.region"() ({
      %run_scoped3A = tpu.sem_alloc : memref<!tpu.dma_semaphore, #tpu.memory_space<semaphore_mem>>
      %dma_start3A = tpu.memref_slice %arg3[%add3A_19] : memref<3840000xf32, #tpu.memory_space<hbm>> -> memref<24000xf32, #tpu.memory_space<hbm>>
      %dma_start3A_42 = tpu.memref_slice %arg3[%add3A_19] : memref<3840000xf32, #tpu.memory_space<hbm>> -> memref<24000xf32, #tpu.memory_space<hbm>>
      tpu.enqueue_dma source(%arg5 : memref<24000xf32, #tpu.memory_space<vmem>>) target(%dma_start3A_42 : memref<24000xf32, #tpu.memory_space<hbm>>) target_semaphore(%run_scoped3A : memref<!tpu.dma_semaphore, #tpu.memory_space<semaphore_mem>>)
      %dma_wait3A = tpu.memref_slice %arg3[%add3A_19] : memref<3840000xf32, #tpu.memory_space<hbm>> -> memref<24000xf32, #tpu.memory_space<hbm>>
      %dma_wait3A_43 = tpu.memref_slice %arg3[%add3A_19] : memref<3840000xf32, #tpu.memory_space<hbm>> -> memref<24000xf32, #tpu.memory_space<hbm>>
      tpu.wait_dma2 semaphore(%run_scoped3A : memref<!tpu.dma_semaphore, #tpu.memory_space<semaphore_mem>>) src(%arg5 : memref<24000xf32, #tpu.memory_space<vmem>>) dst(%dma_wait3A_43 : memref<24000xf32, #tpu.memory_space<hbm>>)
      tpu.yield
    }) : () -> ()
    %add3A_26 = arith.constant 72000 : i32
    %add3A_27 = arith.addi %mul3A_2, %add3A_26 : i32
    "tpu.region"() ({
      %run_scoped3A = tpu.sem_alloc : memref<!tpu.dma_semaphore, #tpu.memory_space<semaphore_mem>>
      %dma_start3A = tpu.memref_slice %arg2[%add3A_27] : memref<3840000xf32, #tpu.memory_space<hbm>> -> memref<24000xf32, #tpu.memory_space<hbm>>
      %dma_start3A_42 = tpu.memref_slice %arg2[%add3A_27] : memref<3840000xf32, #tpu.memory_space<hbm>> -> memref<24000xf32, #tpu.memory_space<hbm>>
      tpu.enqueue_dma source(%dma_start3A_42 : memref<24000xf32, #tpu.memory_space<hbm>>) target(%arg4 : memref<24000xf32, #tpu.memory_space<vmem>>) target_semaphore(%run_scoped3A : memref<!tpu.dma_semaphore, #tpu.memory_space<semaphore_mem>>)
      %dma_wait3A = tpu.memref_slice %arg2[%add3A_27] : memref<3840000xf32, #tpu.memory_space<hbm>> -> memref<24000xf32, #tpu.memory_space<hbm>>
      %dma_wait3A_43 = tpu.memref_slice %arg2[%add3A_27] : memref<3840000xf32, #tpu.memory_space<hbm>> -> memref<24000xf32, #tpu.memory_space<hbm>>
      tpu.wait_dma2 semaphore(%run_scoped3A : memref<!tpu.dma_semaphore, #tpu.memory_space<semaphore_mem>>) src(%dma_wait3A_43 : memref<24000xf32, #tpu.memory_space<hbm>>) dst(%arg4 : memref<24000xf32, #tpu.memory_space<vmem>>)
      tpu.yield
    }) : () -> ()
    %scan3A_28 = arith.constant 0 : i32
    %scan3A_29 = arith.constant 0 : i32
    %scan3A_30 = arith.constant 150 : i32
    %scan3A_31 = arith.addi %scan3A_29, %scan3A_30 : i32
    %scan3A_32 = arith.constant 1 : i32
    scf.for %scan3A_42 = %scan3A_29 to %scan3A_31 step %scan3A_32  : i32 {
      %mul3A_43 = arith.constant 10 : i32
      %mul3A_44 = arith.muli %scan3A_42, %mul3A_43 : i32
      %add3A_45 = arith.constant 0 : i32
      %add3A_46 = arith.addi %mul3A_44, %add3A_45 : i32
      %mul3A_47 = arith.constant 16 : i32
      %mul3A_48 = arith.muli %add3A_46, %mul3A_47 : i32
      %get3A = arith.index_cast %mul3A_48 : i32 to index
      %get3A_49 = tpu.vector_load %arg4[%get3A] {strides = array<i32>} : memref<24000xf32, #tpu.memory_space<vmem>>, vector<16xf32>,
      %get3A_50 = vector.shape_cast %get3A_49 : vector<16xf32> to vector<16xf32>
      %gt3A = arith.constant 0.000000e+00 : f32
      %gt3A_51 = vector.broadcast %gt3A : f32 to vector<16xf32>
      %gt3A_52 = arith.cmpf ogt, %get3A_50, %gt3A_51 : vector<16xf32>
      %min3A = arith.constant 0.000000e+00 : f32
      %min3A_53 = vector.broadcast %min3A : f32 to vector<16xf32>
      %min3A_54 = arith.minimumf %get3A_50, %min3A_53 : vector<16xf32>
      %exp3A = math.exp %min3A_54 : vector<16xf32>
      %sub3A = arith.constant 1.000000e+00 : f32
      %sub3A_55 = vector.broadcast %sub3A : f32 to vector<16xf32>
      %sub3A_56 = arith.subf %exp3A, %sub3A_55 : vector<16xf32>
      %select_n3A = arith.select %gt3A_52, %get3A_50, %sub3A_56 : vector<16xi1>, vector<16xf32>
      %swap3A = arith.index_cast %mul3A_48 : i32 to index
      %swap3A_57 = tpu.vector_load %arg5[%swap3A] {strides = array<i32>} : memref<24000xf32, #tpu.memory_space<vmem>>, vector<16xf32>,
      %swap3A_58 = vector.shape_cast %swap3A_57 : vector<16xf32> to vector<16xf32>
      %swap3A_59 = vector.shape_cast %select_n3A : vector<16xf32> to vector<16xf32>
      tpu.vector_store %arg5[%swap3A], %swap3A_59 {strides = array<i32>} : memref<24000xf32, #tpu.memory_space<vmem>>, vector<16xf32>,
      %mul3A_60 = arith.constant 10 : i32
      %mul3A_61 = arith.muli %scan3A_42, %mul3A_60 : i32
      %add3A_62 = arith.constant 1 : i32
      %add3A_63 = arith.addi %mul3A_61, %add3A_62 : i32
      %mul3A_64 = arith.constant 16 : i32
      %mul3A_65 = arith.muli %add3A_63, %mul3A_64 : i32
      %get3A_66 = arith.index_cast %mul3A_65 : i32 to index
      %get3A_67 = tpu.vector_load %arg4[%get3A_66] {strides = array<i32>} : memref<24000xf32, #tpu.memory_space<vmem>>, vector<16xf32>,
      %get3A_68 = vector.shape_cast %get3A_67 : vector<16xf32> to vector<16xf32>
      %gt3A_69 = arith.constant 0.000000e+00 : f32
      %gt3A_70 = vector.broadcast %gt3A_69 : f32 to vector<16xf32>
      %gt3A_71 = arith.cmpf ogt, %get3A_68, %gt3A_70 : vector<16xf32>
      %min3A_72 = arith.constant 0.000000e+00 : f32
      %min3A_73 = vector.broadcast %min3A_72 : f32 to vector<16xf32>
      %min3A_74 = arith.minimumf %get3A_68, %min3A_73 : vector<16xf32>
      %exp3A_75 = math.exp %min3A_74 : vector<16xf32>
      %sub3A_76 = arith.constant 1.000000e+00 : f32
      %sub3A_77 = vector.broadcast %sub3A_76 : f32 to vector<16xf32>
      %sub3A_78 = arith.subf %exp3A_75, %sub3A_77 : vector<16xf32>
      %select_n3A_79 = arith.select %gt3A_71, %get3A_68, %sub3A_78 : vector<16xi1>, vector<16xf32>
      %swap3A_80 = arith.index_cast %mul3A_65 : i32 to index
      %swap3A_81 = tpu.vector_load %arg5[%swap3A_80] {strides = array<i32>} : memref<24000xf32, #tpu.memory_space<vmem>>, vector<16xf32>,
      %swap3A_82 = vector.shape_cast %swap3A_81 : vector<16xf32> to vector<16xf32>
      %swap3A_83 = vector.shape_cast %select_n3A_79 : vector<16xf32> to vector<16xf32>
      tpu.vector_store %arg5[%swap3A_80], %swap3A_83 {strides = array<i32>} : memref<24000xf32, #tpu.memory_space<vmem>>, vector<16xf32>,
      %mul3A_84 = arith.constant 10 : i32
      %mul3A_85 = arith.muli %scan3A_42, %mul3A_84 : i32
      %add3A_86 = arith.constant 2 : i32
      %add3A_87 = arith.addi %mul3A_85, %add3A_86 : i32
      %mul3A_88 = arith.constant 16 : i32
      %mul3A_89 = arith.muli %add3A_87, %mul3A_88 : i32
      %get3A_90 = arith.index_cast %mul3A_89 : i32 to index
      %get3A_91 = tpu.vector_load %arg4[%get3A_90] {strides = array<i32>} : memref<24000xf32, #tpu.memory_space<vmem>>, vector<16xf32>,
      %get3A_92 = vector.shape_cast %get3A_91 : vector<16xf32> to vector<16xf32>
      %gt3A_93 = arith.constant 0.000000e+00 : f32
      %gt3A_94 = vector.broadcast %gt3A_93 : f32 to vector<16xf32>
      %gt3A_95 = arith.cmpf ogt, %get3A_92, %gt3A_94 : vector<16xf32>
      %min3A_96 = arith.constant 0.000000e+00 : f32
      %min3A_97 = vector.broadcast %min3A_96 : f32 to vector<16xf32>
      %min3A_98 = arith.minimumf %get3A_92, %min3A_97 : vector<16xf32>
      %exp3A_99 = math.exp %min3A_98 : vector<16xf32>
      %sub3A_100 = arith.constant 1.000000e+00 : f32
      %sub3A_101 = vector.broadcast %sub3A_100 : f32 to vector<16xf32>
      %sub3A_102 = arith.subf %exp3A_99, %sub3A_101 : vector<16xf32>
      %select_n3A_103 = arith.select %gt3A_95, %get3A_92, %sub3A_102 : vector<16xi1>, vector<16xf32>
      %swap3A_104 = arith.index_cast %mul3A_89 : i32 to index
      %swap3A_105 = tpu.vector_load %arg5[%swap3A_104] {strides = array<i32>} : memref<24000xf32, #tpu.memory_space<vmem>>, vector<16xf32>,
      %swap3A_106 = vector.shape_cast %swap3A_105 : vector<16xf32> to vector<16xf32>
      %swap3A_107 = vector.shape_cast %select_n3A_103 : vector<16xf32> to vector<16xf32>
      tpu.vector_store %arg5[%swap3A_104], %swap3A_107 {strides = array<i32>} : memref<24000xf32, #tpu.memory_space<vmem>>, vector<16xf32>,
      %mul3A_108 = arith.constant 10 : i32
      %mul3A_109 = arith.muli %scan3A_42, %mul3A_108 : i32
      %add3A_110 = arith.constant 3 : i32
      %add3A_111 = arith.addi %mul3A_109, %add3A_110 : i32
      %mul3A_112 = arith.constant 16 : i32
      %mul3A_113 = arith.muli %add3A_111, %mul3A_112 : i32
      %get3A_114 = arith.index_cast %mul3A_113 : i32 to index
      %get3A_115 = tpu.vector_load %arg4[%get3A_114] {strides = array<i32>} : memref<24000xf32, #tpu.memory_space<vmem>>, vector<16xf32>,
      %get3A_116 = vector.shape_cast %get3A_115 : vector<16xf32> to vector<16xf32>
      %gt3A_117 = arith.constant 0.000000e+00 : f32
      %gt3A_118 = vector.broadcast %gt3A_117 : f32 to vector<16xf32>
      %gt3A_119 = arith.cmpf ogt, %get3A_116, %gt3A_118 : vector<16xf32>
      %min3A_120 = arith.constant 0.000000e+00 : f32
      %min3A_121 = vector.broadcast %min3A_120 : f32 to vector<16xf32>
      %min3A_122 = arith.minimumf %get3A_116, %min3A_121 : vector<16xf32>
      %exp3A_123 = math.exp %min3A_122 : vector<16xf32>
      %sub3A_124 = arith.constant 1.000000e+00 : f32
      %sub3A_125 = vector.broadcast %sub3A_124 : f32 to vector<16xf32>
      %sub3A_126 = arith.subf %exp3A_123, %sub3A_125 : vector<16xf32>
      %select_n3A_127 = arith.select %gt3A_119, %get3A_116, %sub3A_126 : vector<16xi1>, vector<16xf32>
      %swap3A_128 = arith.index_cast %mul3A_113 : i32 to index
      %swap3A_129 = tpu.vector_load %arg5[%swap3A_128] {strides = array<i32>} : memref<24000xf32, #tpu.memory_space<vmem>>, vector<16xf32>,
      %swap3A_130 = vector.shape_cast %swap3A_129 : vector<16xf32> to vector<16xf32>
      %swap3A_131 = vector.shape_cast %select_n3A_127 : vector<16xf32> to vector<16xf32>
      tpu.vector_store %arg5[%swap3A_128], %swap3A_131 {strides = array<i32>} : memref<24000xf32, #tpu.memory_space<vmem>>, vector<16xf32>,
      %mul3A_132 = arith.constant 10 : i32
      %mul3A_133 = arith.muli %scan3A_42, %mul3A_132 : i32
      %add3A_134 = arith.constant 4 : i32
      %add3A_135 = arith.addi %mul3A_133, %add3A_134 : i32
      %mul3A_136 = arith.constant 16 : i32
      %mul3A_137 = arith.muli %add3A_135, %mul3A_136 : i32
      %get3A_138 = arith.index_cast %mul3A_137 : i32 to index
      %get3A_139 = tpu.vector_load %arg4[%get3A_138] {strides = array<i32>} : memref<24000xf32, #tpu.memory_space<vmem>>, vector<16xf32>,
      %get3A_140 = vector.shape_cast %get3A_139 : vector<16xf32> to vector<16xf32>
      %gt3A_141 = arith.constant 0.000000e+00 : f32
      %gt3A_142 = vector.broadcast %gt3A_141 : f32 to vector<16xf32>
      %gt3A_143 = arith.cmpf ogt, %get3A_140, %gt3A_142 : vector<16xf32>
      %min3A_144 = arith.constant 0.000000e+00 : f32
      %min3A_145 = vector.broadcast %min3A_144 : f32 to vector<16xf32>
      %min3A_146 = arith.minimumf %get3A_140, %min3A_145 : vector<16xf32>
      %exp3A_147 = math.exp %min3A_146 : vector<16xf32>
      %sub3A_148 = arith.constant 1.000000e+00 : f32
      %sub3A_149 = vector.broadcast %sub3A_148 : f32 to vector<16xf32>
      %sub3A_150 = arith.subf %exp3A_147, %sub3A_149 : vector<16xf32>
      %select_n3A_151 = arith.select %gt3A_143, %get3A_140, %sub3A_150 : vector<16xi1>, vector<16xf32>
      %swap3A_152 = arith.index_cast %mul3A_137 : i32 to index
      %swap3A_153 = tpu.vector_load %arg5[%swap3A_152] {strides = array<i32>} : memref<24000xf32, #tpu.memory_space<vmem>>, vector<16xf32>,
      %swap3A_154 = vector.shape_cast %swap3A_153 : vector<16xf32> to vector<16xf32>
      %swap3A_155 = vector.shape_cast %select_n3A_151 : vector<16xf32> to vector<16xf32>
      tpu.vector_store %arg5[%swap3A_152], %swap3A_155 {strides = array<i32>} : memref<24000xf32, #tpu.memory_space<vmem>>, vector<16xf32>,
      %mul3A_156 = arith.constant 10 : i32
      %mul3A_157 = arith.muli %scan3A_42, %mul3A_156 : i32
      %add3A_158 = arith.constant 5 : i32
      %add3A_159 = arith.addi %mul3A_157, %add3A_158 : i32
      %mul3A_160 = arith.constant 16 : i32
      %mul3A_161 = arith.muli %add3A_159, %mul3A_160 : i32
      %get3A_162 = arith.index_cast %mul3A_161 : i32 to index
      %get3A_163 = tpu.vector_load %arg4[%get3A_162] {strides = array<i32>} : memref<24000xf32, #tpu.memory_space<vmem>>, vector<16xf32>,
      %get3A_164 = vector.shape_cast %get3A_163 : vector<16xf32> to vector<16xf32>
      %gt3A_165 = arith.constant 0.000000e+00 : f32
      %gt3A_166 = vector.broadcast %gt3A_165 : f32 to vector<16xf32>
      %gt3A_167 = arith.cmpf ogt, %get3A_164, %gt3A_166 : vector<16xf32>
      %min3A_168 = arith.constant 0.000000e+00 : f32
      %min3A_169 = vector.broadcast %min3A_168 : f32 to vector<16xf32>
      %min3A_170 = arith.minimumf %get3A_164, %min3A_169 : vector<16xf32>
      %exp3A_171 = math.exp %min3A_170 : vector<16xf32>
      %sub3A_172 = arith.constant 1.000000e+00 : f32
      %sub3A_173 = vector.broadcast %sub3A_172 : f32 to vector<16xf32>
      %sub3A_174 = arith.subf %exp3A_171, %sub3A_173 : vector<16xf32>
      %select_n3A_175 = arith.select %gt3A_167, %get3A_164, %sub3A_174 : vector<16xi1>, vector<16xf32>
      %swap3A_176 = arith.index_cast %mul3A_161 : i32 to index
      %swap3A_177 = tpu.vector_load %arg5[%swap3A_176] {strides = array<i32>} : memref<24000xf32, #tpu.memory_space<vmem>>, vector<16xf32>,
      %swap3A_178 = vector.shape_cast %swap3A_177 : vector<16xf32> to vector<16xf32>
      %swap3A_179 = vector.shape_cast %select_n3A_175 : vector<16xf32> to vector<16xf32>
      tpu.vector_store %arg5[%swap3A_176], %swap3A_179 {strides = array<i32>} : memref<24000xf32, #tpu.memory_space<vmem>>, vector<16xf32>,
      %mul3A_180 = arith.constant 10 : i32
      %mul3A_181 = arith.muli %scan3A_42, %mul3A_180 : i32
      %add3A_182 = arith.constant 6 : i32
      %add3A_183 = arith.addi %mul3A_181, %add3A_182 : i32
      %mul3A_184 = arith.constant 16 : i32
      %mul3A_185 = arith.muli %add3A_183, %mul3A_184 : i32
      %get3A_186 = arith.index_cast %mul3A_185 : i32 to index
      %get3A_187 = tpu.vector_load %arg4[%get3A_186] {strides = array<i32>} : memref<24000xf32, #tpu.memory_space<vmem>>, vector<16xf32>,
      %get3A_188 = vector.shape_cast %get3A_187 : vector<16xf32> to vector<16xf32>
      %gt3A_189 = arith.constant 0.000000e+00 : f32
      %gt3A_190 = vector.broadcast %gt3A_189 : f32 to vector<16xf32>
      %gt3A_191 = arith.cmpf ogt, %get3A_188, %gt3A_190 : vector<16xf32>
      %min3A_192 = arith.constant 0.000000e+00 : f32
      %min3A_193 = vector.broadcast %min3A_192 : f32 to vector<16xf32>
      %min3A_194 = arith.minimumf %get3A_188, %min3A_193 : vector<16xf32>
      %exp3A_195 = math.exp %min3A_194 : vector<16xf32>
      %sub3A_196 = arith.constant 1.000000e+00 : f32
      %sub3A_197 = vector.broadcast %sub3A_196 : f32 to vector<16xf32>
      %sub3A_198 = arith.subf %exp3A_195, %sub3A_197 : vector<16xf32>
      %select_n3A_199 = arith.select %gt3A_191, %get3A_188, %sub3A_198 : vector<16xi1>, vector<16xf32>
      %swap3A_200 = arith.index_cast %mul3A_185 : i32 to index
      %swap3A_201 = tpu.vector_load %arg5[%swap3A_200] {strides = array<i32>} : memref<24000xf32, #tpu.memory_space<vmem>>, vector<16xf32>,
      %swap3A_202 = vector.shape_cast %swap3A_201 : vector<16xf32> to vector<16xf32>
      %swap3A_203 = vector.shape_cast %select_n3A_199 : vector<16xf32> to vector<16xf32>
      tpu.vector_store %arg5[%swap3A_200], %swap3A_203 {strides = array<i32>} : memref<24000xf32, #tpu.memory_space<vmem>>, vector<16xf32>,
      %mul3A_204 = arith.constant 10 : i32
      %mul3A_205 = arith.muli %scan3A_42, %mul3A_204 : i32
      %add3A_206 = arith.constant 7 : i32
      %add3A_207 = arith.addi %mul3A_205, %add3A_206 : i32
      %mul3A_208 = arith.constant 16 : i32
      %mul3A_209 = arith.muli %add3A_207, %mul3A_208 : i32
      %get3A_210 = arith.index_cast %mul3A_209 : i32 to index
      %get3A_211 = tpu.vector_load %arg4[%get3A_210] {strides = array<i32>} : memref<24000xf32, #tpu.memory_space<vmem>>, vector<16xf32>,
      %get3A_212 = vector.shape_cast %get3A_211 : vector<16xf32> to vector<16xf32>
      %gt3A_213 = arith.constant 0.000000e+00 : f32
      %gt3A_214 = vector.broadcast %gt3A_213 : f32 to vector<16xf32>
      %gt3A_215 = arith.cmpf ogt, %get3A_212, %gt3A_214 : vector<16xf32>
      %min3A_216 = arith.constant 0.000000e+00 : f32
      %min3A_217 = vector.broadcast %min3A_216 : f32 to vector<16xf32>
      %min3A_218 = arith.minimumf %get3A_212, %min3A_217 : vector<16xf32>
      %exp3A_219 = math.exp %min3A_218 : vector<16xf32>
      %sub3A_220 = arith.constant 1.000000e+00 : f32
      %sub3A_221 = vector.broadcast %sub3A_220 : f32 to vector<16xf32>
      %sub3A_222 = arith.subf %exp3A_219, %sub3A_221 : vector<16xf32>
      %select_n3A_223 = arith.select %gt3A_215, %get3A_212, %sub3A_222 : vector<16xi1>, vector<16xf32>
      %swap3A_224 = arith.index_cast %mul3A_209 : i32 to index
      %swap3A_225 = tpu.vector_load %arg5[%swap3A_224] {strides = array<i32>} : memref<24000xf32, #tpu.memory_space<vmem>>, vector<16xf32>,
      %swap3A_226 = vector.shape_cast %swap3A_225 : vector<16xf32> to vector<16xf32>
      %swap3A_227 = vector.shape_cast %select_n3A_223 : vector<16xf32> to vector<16xf32>
      tpu.vector_store %arg5[%swap3A_224], %swap3A_227 {strides = array<i32>} : memref<24000xf32, #tpu.memory_space<vmem>>, vector<16xf32>,
      %mul3A_228 = arith.constant 10 : i32
      %mul3A_229 = arith.muli %scan3A_42, %mul3A_228 : i32
      %add3A_230 = arith.constant 8 : i32
      %add3A_231 = arith.addi %mul3A_229, %add3A_230 : i32
      %mul3A_232 = arith.constant 16 : i32
      %mul3A_233 = arith.muli %add3A_231, %mul3A_232 : i32
      %get3A_234 = arith.index_cast %mul3A_233 : i32 to index
      %get3A_235 = tpu.vector_load %arg4[%get3A_234] {strides = array<i32>} : memref<24000xf32, #tpu.memory_space<vmem>>, vector<16xf32>,
      %get3A_236 = vector.shape_cast %get3A_235 : vector<16xf32> to vector<16xf32>
      %gt3A_237 = arith.constant 0.000000e+00 : f32
      %gt3A_238 = vector.broadcast %gt3A_237 : f32 to vector<16xf32>
      %gt3A_239 = arith.cmpf ogt, %get3A_236, %gt3A_238 : vector<16xf32>
      %min3A_240 = arith.constant 0.000000e+00 : f32
      %min3A_241 = vector.broadcast %min3A_240 : f32 to vector<16xf32>
      %min3A_242 = arith.minimumf %get3A_236, %min3A_241 : vector<16xf32>
      %exp3A_243 = math.exp %min3A_242 : vector<16xf32>
      %sub3A_244 = arith.constant 1.000000e+00 : f32
      %sub3A_245 = vector.broadcast %sub3A_244 : f32 to vector<16xf32>
      %sub3A_246 = arith.subf %exp3A_243, %sub3A_245 : vector<16xf32>
      %select_n3A_247 = arith.select %gt3A_239, %get3A_236, %sub3A_246 : vector<16xi1>, vector<16xf32>
      %swap3A_248 = arith.index_cast %mul3A_233 : i32 to index
      %swap3A_249 = tpu.vector_load %arg5[%swap3A_248] {strides = array<i32>} : memref<24000xf32, #tpu.memory_space<vmem>>, vector<16xf32>,
      %swap3A_250 = vector.shape_cast %swap3A_249 : vector<16xf32> to vector<16xf32>
      %swap3A_251 = vector.shape_cast %select_n3A_247 : vector<16xf32> to vector<16xf32>
      tpu.vector_store %arg5[%swap3A_248], %swap3A_251 {strides = array<i32>} : memref<24000xf32, #tpu.memory_space<vmem>>, vector<16xf32>,
      %mul3A_252 = arith.constant 10 : i32
      %mul3A_253 = arith.muli %scan3A_42, %mul3A_252 : i32
      %add3A_254 = arith.constant 9 : i32
      %add3A_255 = arith.addi %mul3A_253, %add3A_254 : i32
      %mul3A_256 = arith.constant 16 : i32
      %mul3A_257 = arith.muli %add3A_255, %mul3A_256 : i32
      %get3A_258 = arith.index_cast %mul3A_257 : i32 to index
      %get3A_259 = tpu.vector_load %arg4[%get3A_258] {strides = array<i32>} : memref<24000xf32, #tpu.memory_space<vmem>>, vector<16xf32>,
      %get3A_260 = vector.shape_cast %get3A_259 : vector<16xf32> to vector<16xf32>
      %gt3A_261 = arith.constant 0.000000e+00 : f32
      %gt3A_262 = vector.broadcast %gt3A_261 : f32 to vector<16xf32>
      %gt3A_263 = arith.cmpf ogt, %get3A_260, %gt3A_262 : vector<16xf32>
      %min3A_264 = arith.constant 0.000000e+00 : f32
      %min3A_265 = vector.broadcast %min3A_264 : f32 to vector<16xf32>
      %min3A_266 = arith.minimumf %get3A_260, %min3A_265 : vector<16xf32>
      %exp3A_267 = math.exp %min3A_266 : vector<16xf32>
      %sub3A_268 = arith.constant 1.000000e+00 : f32
      %sub3A_269 = vector.broadcast %sub3A_268 : f32 to vector<16xf32>
      %sub3A_270 = arith.subf %exp3A_267, %sub3A_269 : vector<16xf32>
      %select_n3A_271 = arith.select %gt3A_263, %get3A_260, %sub3A_270 : vector<16xi1>, vector<16xf32>
      %swap3A_272 = arith.index_cast %mul3A_257 : i32 to index
      %swap3A_273 = tpu.vector_load %arg5[%swap3A_272] {strides = array<i32>} : memref<24000xf32, #tpu.memory_space<vmem>>, vector<16xf32>,
      %swap3A_274 = vector.shape_cast %swap3A_273 : vector<16xf32> to vector<16xf32>
      %swap3A_275 = vector.shape_cast %select_n3A_271 : vector<16xf32> to vector<16xf32>
      tpu.vector_store %arg5[%swap3A_272], %swap3A_275 {strides = array<i32>} : memref<24000xf32, #tpu.memory_space<vmem>>, vector<16xf32>,
    }
    %scan3A_33 = arith.constant 150 : i32
    "tpu.region"() ({
      %run_scoped3A = tpu.sem_alloc : memref<!tpu.dma_semaphore, #tpu.memory_space<semaphore_mem>>
      %dma_start3A = tpu.memref_slice %arg3[%add3A_27] : memref<3840000xf32, #tpu.memory_space<hbm>> -> memref<24000xf32, #tpu.memory_space<hbm>>
      %dma_start3A_42 = tpu.memref_slice %arg3[%add3A_27] : memref<3840000xf32, #tpu.memory_space<hbm>> -> memref<24000xf32, #tpu.memory_space<hbm>>
      tpu.enqueue_dma source(%arg5 : memref<24000xf32, #tpu.memory_space<vmem>>) target(%dma_start3A_42 : memref<24000xf32, #tpu.memory_space<hbm>>) target_semaphore(%run_scoped3A : memref<!tpu.dma_semaphore, #tpu.memory_space<semaphore_mem>>)
      %dma_wait3A = tpu.memref_slice %arg3[%add3A_27] : memref<3840000xf32, #tpu.memory_space<hbm>> -> memref<24000xf32, #tpu.memory_space<hbm>>
      %dma_wait3A_43 = tpu.memref_slice %arg3[%add3A_27] : memref<3840000xf32, #tpu.memory_space<hbm>> -> memref<24000xf32, #tpu.memory_space<hbm>>
      tpu.wait_dma2 semaphore(%run_scoped3A : memref<!tpu.dma_semaphore, #tpu.memory_space<semaphore_mem>>) src(%arg5 : memref<24000xf32, #tpu.memory_space<vmem>>) dst(%dma_wait3A_43 : memref<24000xf32, #tpu.memory_space<hbm>>)
      tpu.yield
    }) : () -> ()
    %add3A_34 = arith.constant 96000 : i32
    %add3A_35 = arith.addi %mul3A_2, %add3A_34 : i32
    "tpu.region"() ({
      %run_scoped3A = tpu.sem_alloc : memref<!tpu.dma_semaphore, #tpu.memory_space<semaphore_mem>>
      %dma_start3A = tpu.memref_slice %arg2[%add3A_35] : memref<3840000xf32, #tpu.memory_space<hbm>> -> memref<24000xf32, #tpu.memory_space<hbm>>
      %dma_start3A_42 = tpu.memref_slice %arg2[%add3A_35] : memref<3840000xf32, #tpu.memory_space<hbm>> -> memref<24000xf32, #tpu.memory_space<hbm>>
      tpu.enqueue_dma source(%dma_start3A_42 : memref<24000xf32, #tpu.memory_space<hbm>>) target(%arg4 : memref<24000xf32, #tpu.memory_space<vmem>>) target_semaphore(%run_scoped3A : memref<!tpu.dma_semaphore, #tpu.memory_space<semaphore_mem>>)
      %dma_wait3A = tpu.memref_slice %arg2[%add3A_35] : memref<3840000xf32, #tpu.memory_space<hbm>> -> memref<24000xf32, #tpu.memory_space<hbm>>
      %dma_wait3A_43 = tpu.memref_slice %arg2[%add3A_35] : memref<3840000xf32, #tpu.memory_space<hbm>> -> memref<24000xf32, #tpu.memory_space<hbm>>
      tpu.wait_dma2 semaphore(%run_scoped3A : memref<!tpu.dma_semaphore, #tpu.memory_space<semaphore_mem>>) src(%dma_wait3A_43 : memref<24000xf32, #tpu.memory_space<hbm>>) dst(%arg4 : memref<24000xf32, #tpu.memory_space<vmem>>)
      tpu.yield
    }) : () -> ()
    %scan3A_36 = arith.constant 0 : i32
    %scan3A_37 = arith.constant 0 : i32
    %scan3A_38 = arith.constant 150 : i32
    %scan3A_39 = arith.addi %scan3A_37, %scan3A_38 : i32
    %scan3A_40 = arith.constant 1 : i32
    scf.for %scan3A_42 = %scan3A_37 to %scan3A_39 step %scan3A_40  : i32 {
      %mul3A_43 = arith.constant 10 : i32
      %mul3A_44 = arith.muli %scan3A_42, %mul3A_43 : i32
      %add3A_45 = arith.constant 0 : i32
      %add3A_46 = arith.addi %mul3A_44, %add3A_45 : i32
      %mul3A_47 = arith.constant 16 : i32
      %mul3A_48 = arith.muli %add3A_46, %mul3A_47 : i32
      %get3A = arith.index_cast %mul3A_48 : i32 to index
      %get3A_49 = tpu.vector_load %arg4[%get3A] {strides = array<i32>} : memref<24000xf32, #tpu.memory_space<vmem>>, vector<16xf32>,
      %get3A_50 = vector.shape_cast %get3A_49 : vector<16xf32> to vector<16xf32>
      %gt3A = arith.constant 0.000000e+00 : f32
      %gt3A_51 = vector.broadcast %gt3A : f32 to vector<16xf32>
      %gt3A_52 = arith.cmpf ogt, %get3A_50, %gt3A_51 : vector<16xf32>
      %min3A = arith.constant 0.000000e+00 : f32
      %min3A_53 = vector.broadcast %min3A : f32 to vector<16xf32>
      %min3A_54 = arith.minimumf %get3A_50, %min3A_53 : vector<16xf32>
      %exp3A = math.exp %min3A_54 : vector<16xf32>
      %sub3A = arith.constant 1.000000e+00 : f32
      %sub3A_55 = vector.broadcast %sub3A : f32 to vector<16xf32>
      %sub3A_56 = arith.subf %exp3A, %sub3A_55 : vector<16xf32>
      %select_n3A = arith.select %gt3A_52, %get3A_50, %sub3A_56 : vector<16xi1>, vector<16xf32>
      %swap3A = arith.index_cast %mul3A_48 : i32 to index
      %swap3A_57 = tpu.vector_load %arg5[%swap3A] {strides = array<i32>} : memref<24000xf32, #tpu.memory_space<vmem>>, vector<16xf32>,
      %swap3A_58 = vector.shape_cast %swap3A_57 : vector<16xf32> to vector<16xf32>
      %swap3A_59 = vector.shape_cast %select_n3A : vector<16xf32> to vector<16xf32>
      tpu.vector_store %arg5[%swap3A], %swap3A_59 {strides = array<i32>} : memref<24000xf32, #tpu.memory_space<vmem>>, vector<16xf32>,
      %mul3A_60 = arith.constant 10 : i32
      %mul3A_61 = arith.muli %scan3A_42, %mul3A_60 : i32
      %add3A_62 = arith.constant 1 : i32
      %add3A_63 = arith.addi %mul3A_61, %add3A_62 : i32
      %mul3A_64 = arith.constant 16 : i32
      %mul3A_65 = arith.muli %add3A_63, %mul3A_64 : i32
      %get3A_66 = arith.index_cast %mul3A_65 : i32 to index
      %get3A_67 = tpu.vector_load %arg4[%get3A_66] {strides = array<i32>} : memref<24000xf32, #tpu.memory_space<vmem>>, vector<16xf32>,
      %get3A_68 = vector.shape_cast %get3A_67 : vector<16xf32> to vector<16xf32>
      %gt3A_69 = arith.constant 0.000000e+00 : f32
      %gt3A_70 = vector.broadcast %gt3A_69 : f32 to vector<16xf32>
      %gt3A_71 = arith.cmpf ogt, %get3A_68, %gt3A_70 : vector<16xf32>
      %min3A_72 = arith.constant 0.000000e+00 : f32
      %min3A_73 = vector.broadcast %min3A_72 : f32 to vector<16xf32>
      %min3A_74 = arith.minimumf %get3A_68, %min3A_73 : vector<16xf32>
      %exp3A_75 = math.exp %min3A_74 : vector<16xf32>
      %sub3A_76 = arith.constant 1.000000e+00 : f32
      %sub3A_77 = vector.broadcast %sub3A_76 : f32 to vector<16xf32>
      %sub3A_78 = arith.subf %exp3A_75, %sub3A_77 : vector<16xf32>
      %select_n3A_79 = arith.select %gt3A_71, %get3A_68, %sub3A_78 : vector<16xi1>, vector<16xf32>
      %swap3A_80 = arith.index_cast %mul3A_65 : i32 to index
      %swap3A_81 = tpu.vector_load %arg5[%swap3A_80] {strides = array<i32>} : memref<24000xf32, #tpu.memory_space<vmem>>, vector<16xf32>,
      %swap3A_82 = vector.shape_cast %swap3A_81 : vector<16xf32> to vector<16xf32>
      %swap3A_83 = vector.shape_cast %select_n3A_79 : vector<16xf32> to vector<16xf32>
      tpu.vector_store %arg5[%swap3A_80], %swap3A_83 {strides = array<i32>} : memref<24000xf32, #tpu.memory_space<vmem>>, vector<16xf32>,
      %mul3A_84 = arith.constant 10 : i32
      %mul3A_85 = arith.muli %scan3A_42, %mul3A_84 : i32
      %add3A_86 = arith.constant 2 : i32
      %add3A_87 = arith.addi %mul3A_85, %add3A_86 : i32
      %mul3A_88 = arith.constant 16 : i32
      %mul3A_89 = arith.muli %add3A_87, %mul3A_88 : i32
      %get3A_90 = arith.index_cast %mul3A_89 : i32 to index
      %get3A_91 = tpu.vector_load %arg4[%get3A_90] {strides = array<i32>} : memref<24000xf32, #tpu.memory_space<vmem>>, vector<16xf32>,
      %get3A_92 = vector.shape_cast %get3A_91 : vector<16xf32> to vector<16xf32>
      %gt3A_93 = arith.constant 0.000000e+00 : f32
      %gt3A_94 = vector.broadcast %gt3A_93 : f32 to vector<16xf32>
      %gt3A_95 = arith.cmpf ogt, %get3A_92, %gt3A_94 : vector<16xf32>
      %min3A_96 = arith.constant 0.000000e+00 : f32
      %min3A_97 = vector.broadcast %min3A_96 : f32 to vector<16xf32>
      %min3A_98 = arith.minimumf %get3A_92, %min3A_97 : vector<16xf32>
      %exp3A_99 = math.exp %min3A_98 : vector<16xf32>
      %sub3A_100 = arith.constant 1.000000e+00 : f32
      %sub3A_101 = vector.broadcast %sub3A_100 : f32 to vector<16xf32>
      %sub3A_102 = arith.subf %exp3A_99, %sub3A_101 : vector<16xf32>
      %select_n3A_103 = arith.select %gt3A_95, %get3A_92, %sub3A_102 : vector<16xi1>, vector<16xf32>
      %swap3A_104 = arith.index_cast %mul3A_89 : i32 to index
      %swap3A_105 = tpu.vector_load %arg5[%swap3A_104] {strides = array<i32>} : memref<24000xf32, #tpu.memory_space<vmem>>, vector<16xf32>,
      %swap3A_106 = vector.shape_cast %swap3A_105 : vector<16xf32> to vector<16xf32>
      %swap3A_107 = vector.shape_cast %select_n3A_103 : vector<16xf32> to vector<16xf32>
      tpu.vector_store %arg5[%swap3A_104], %swap3A_107 {strides = array<i32>} : memref<24000xf32, #tpu.memory_space<vmem>>, vector<16xf32>,
      %mul3A_108 = arith.constant 10 : i32
      %mul3A_109 = arith.muli %scan3A_42, %mul3A_108 : i32
      %add3A_110 = arith.constant 3 : i32
      %add3A_111 = arith.addi %mul3A_109, %add3A_110 : i32
      %mul3A_112 = arith.constant 16 : i32
      %mul3A_113 = arith.muli %add3A_111, %mul3A_112 : i32
      %get3A_114 = arith.index_cast %mul3A_113 : i32 to index
      %get3A_115 = tpu.vector_load %arg4[%get3A_114] {strides = array<i32>} : memref<24000xf32, #tpu.memory_space<vmem>>, vector<16xf32>,
      %get3A_116 = vector.shape_cast %get3A_115 : vector<16xf32> to vector<16xf32>
      %gt3A_117 = arith.constant 0.000000e+00 : f32
      %gt3A_118 = vector.broadcast %gt3A_117 : f32 to vector<16xf32>
      %gt3A_119 = arith.cmpf ogt, %get3A_116, %gt3A_118 : vector<16xf32>
      %min3A_120 = arith.constant 0.000000e+00 : f32
      %min3A_121 = vector.broadcast %min3A_120 : f32 to vector<16xf32>
      %min3A_122 = arith.minimumf %get3A_116, %min3A_121 : vector<16xf32>
      %exp3A_123 = math.exp %min3A_122 : vector<16xf32>
      %sub3A_124 = arith.constant 1.000000e+00 : f32
      %sub3A_125 = vector.broadcast %sub3A_124 : f32 to vector<16xf32>
      %sub3A_126 = arith.subf %exp3A_123, %sub3A_125 : vector<16xf32>
      %select_n3A_127 = arith.select %gt3A_119, %get3A_116, %sub3A_126 : vector<16xi1>, vector<16xf32>
      %swap3A_128 = arith.index_cast %mul3A_113 : i32 to index
      %swap3A_129 = tpu.vector_load %arg5[%swap3A_128] {strides = array<i32>} : memref<24000xf32, #tpu.memory_space<vmem>>, vector<16xf32>,
      %swap3A_130 = vector.shape_cast %swap3A_129 : vector<16xf32> to vector<16xf32>
      %swap3A_131 = vector.shape_cast %select_n3A_127 : vector<16xf32> to vector<16xf32>
      tpu.vector_store %arg5[%swap3A_128], %swap3A_131 {strides = array<i32>} : memref<24000xf32, #tpu.memory_space<vmem>>, vector<16xf32>,
      %mul3A_132 = arith.constant 10 : i32
      %mul3A_133 = arith.muli %scan3A_42, %mul3A_132 : i32
      %add3A_134 = arith.constant 4 : i32
      %add3A_135 = arith.addi %mul3A_133, %add3A_134 : i32
      %mul3A_136 = arith.constant 16 : i32
      %mul3A_137 = arith.muli %add3A_135, %mul3A_136 : i32
      %get3A_138 = arith.index_cast %mul3A_137 : i32 to index
      %get3A_139 = tpu.vector_load %arg4[%get3A_138] {strides = array<i32>} : memref<24000xf32, #tpu.memory_space<vmem>>, vector<16xf32>,
      %get3A_140 = vector.shape_cast %get3A_139 : vector<16xf32> to vector<16xf32>
      %gt3A_141 = arith.constant 0.000000e+00 : f32
      %gt3A_142 = vector.broadcast %gt3A_141 : f32 to vector<16xf32>
      %gt3A_143 = arith.cmpf ogt, %get3A_140, %gt3A_142 : vector<16xf32>
      %min3A_144 = arith.constant 0.000000e+00 : f32
      %min3A_145 = vector.broadcast %min3A_144 : f32 to vector<16xf32>
      %min3A_146 = arith.minimumf %get3A_140, %min3A_145 : vector<16xf32>
      %exp3A_147 = math.exp %min3A_146 : vector<16xf32>
      %sub3A_148 = arith.constant 1.000000e+00 : f32
      %sub3A_149 = vector.broadcast %sub3A_148 : f32 to vector<16xf32>
      %sub3A_150 = arith.subf %exp3A_147, %sub3A_149 : vector<16xf32>
      %select_n3A_151 = arith.select %gt3A_143, %get3A_140, %sub3A_150 : vector<16xi1>, vector<16xf32>
      %swap3A_152 = arith.index_cast %mul3A_137 : i32 to index
      %swap3A_153 = tpu.vector_load %arg5[%swap3A_152] {strides = array<i32>} : memref<24000xf32, #tpu.memory_space<vmem>>, vector<16xf32>,
      %swap3A_154 = vector.shape_cast %swap3A_153 : vector<16xf32> to vector<16xf32>
      %swap3A_155 = vector.shape_cast %select_n3A_151 : vector<16xf32> to vector<16xf32>
      tpu.vector_store %arg5[%swap3A_152], %swap3A_155 {strides = array<i32>} : memref<24000xf32, #tpu.memory_space<vmem>>, vector<16xf32>,
      %mul3A_156 = arith.constant 10 : i32
      %mul3A_157 = arith.muli %scan3A_42, %mul3A_156 : i32
      %add3A_158 = arith.constant 5 : i32
      %add3A_159 = arith.addi %mul3A_157, %add3A_158 : i32
      %mul3A_160 = arith.constant 16 : i32
      %mul3A_161 = arith.muli %add3A_159, %mul3A_160 : i32
      %get3A_162 = arith.index_cast %mul3A_161 : i32 to index
      %get3A_163 = tpu.vector_load %arg4[%get3A_162] {strides = array<i32>} : memref<24000xf32, #tpu.memory_space<vmem>>, vector<16xf32>,
      %get3A_164 = vector.shape_cast %get3A_163 : vector<16xf32> to vector<16xf32>
      %gt3A_165 = arith.constant 0.000000e+00 : f32
      %gt3A_166 = vector.broadcast %gt3A_165 : f32 to vector<16xf32>
      %gt3A_167 = arith.cmpf ogt, %get3A_164, %gt3A_166 : vector<16xf32>
      %min3A_168 = arith.constant 0.000000e+00 : f32
      %min3A_169 = vector.broadcast %min3A_168 : f32 to vector<16xf32>
      %min3A_170 = arith.minimumf %get3A_164, %min3A_169 : vector<16xf32>
      %exp3A_171 = math.exp %min3A_170 : vector<16xf32>
      %sub3A_172 = arith.constant 1.000000e+00 : f32
      %sub3A_173 = vector.broadcast %sub3A_172 : f32 to vector<16xf32>
      %sub3A_174 = arith.subf %exp3A_171, %sub3A_173 : vector<16xf32>
      %select_n3A_175 = arith.select %gt3A_167, %get3A_164, %sub3A_174 : vector<16xi1>, vector<16xf32>
      %swap3A_176 = arith.index_cast %mul3A_161 : i32 to index
      %swap3A_177 = tpu.vector_load %arg5[%swap3A_176] {strides = array<i32>} : memref<24000xf32, #tpu.memory_space<vmem>>, vector<16xf32>,
      %swap3A_178 = vector.shape_cast %swap3A_177 : vector<16xf32> to vector<16xf32>
      %swap3A_179 = vector.shape_cast %select_n3A_175 : vector<16xf32> to vector<16xf32>
      tpu.vector_store %arg5[%swap3A_176], %swap3A_179 {strides = array<i32>} : memref<24000xf32, #tpu.memory_space<vmem>>, vector<16xf32>,
      %mul3A_180 = arith.constant 10 : i32
      %mul3A_181 = arith.muli %scan3A_42, %mul3A_180 : i32
      %add3A_182 = arith.constant 6 : i32
      %add3A_183 = arith.addi %mul3A_181, %add3A_182 : i32
      %mul3A_184 = arith.constant 16 : i32
      %mul3A_185 = arith.muli %add3A_183, %mul3A_184 : i32
      %get3A_186 = arith.index_cast %mul3A_185 : i32 to index
      %get3A_187 = tpu.vector_load %arg4[%get3A_186] {strides = array<i32>} : memref<24000xf32, #tpu.memory_space<vmem>>, vector<16xf32>,
      %get3A_188 = vector.shape_cast %get3A_187 : vector<16xf32> to vector<16xf32>
      %gt3A_189 = arith.constant 0.000000e+00 : f32
      %gt3A_190 = vector.broadcast %gt3A_189 : f32 to vector<16xf32>
      %gt3A_191 = arith.cmpf ogt, %get3A_188, %gt3A_190 : vector<16xf32>
      %min3A_192 = arith.constant 0.000000e+00 : f32
      %min3A_193 = vector.broadcast %min3A_192 : f32 to vector<16xf32>
      %min3A_194 = arith.minimumf %get3A_188, %min3A_193 : vector<16xf32>
      %exp3A_195 = math.exp %min3A_194 : vector<16xf32>
      %sub3A_196 = arith.constant 1.000000e+00 : f32
      %sub3A_197 = vector.broadcast %sub3A_196 : f32 to vector<16xf32>
      %sub3A_198 = arith.subf %exp3A_195, %sub3A_197 : vector<16xf32>
      %select_n3A_199 = arith.select %gt3A_191, %get3A_188, %sub3A_198 : vector<16xi1>, vector<16xf32>
      %swap3A_200 = arith.index_cast %mul3A_185 : i32 to index
      %swap3A_201 = tpu.vector_load %arg5[%swap3A_200] {strides = array<i32>} : memref<24000xf32, #tpu.memory_space<vmem>>, vector<16xf32>,
      %swap3A_202 = vector.shape_cast %swap3A_201 : vector<16xf32> to vector<16xf32>
      %swap3A_203 = vector.shape_cast %select_n3A_199 : vector<16xf32> to vector<16xf32>
      tpu.vector_store %arg5[%swap3A_200], %swap3A_203 {strides = array<i32>} : memref<24000xf32, #tpu.memory_space<vmem>>, vector<16xf32>,
      %mul3A_204 = arith.constant 10 : i32
      %mul3A_205 = arith.muli %scan3A_42, %mul3A_204 : i32
      %add3A_206 = arith.constant 7 : i32
      %add3A_207 = arith.addi %mul3A_205, %add3A_206 : i32
      %mul3A_208 = arith.constant 16 : i32
      %mul3A_209 = arith.muli %add3A_207, %mul3A_208 : i32
      %get3A_210 = arith.index_cast %mul3A_209 : i32 to index
      %get3A_211 = tpu.vector_load %arg4[%get3A_210] {strides = array<i32>} : memref<24000xf32, #tpu.memory_space<vmem>>, vector<16xf32>,
      %get3A_212 = vector.shape_cast %get3A_211 : vector<16xf32> to vector<16xf32>
      %gt3A_213 = arith.constant 0.000000e+00 : f32
      %gt3A_214 = vector.broadcast %gt3A_213 : f32 to vector<16xf32>
      %gt3A_215 = arith.cmpf ogt, %get3A_212, %gt3A_214 : vector<16xf32>
      %min3A_216 = arith.constant 0.000000e+00 : f32
      %min3A_217 = vector.broadcast %min3A_216 : f32 to vector<16xf32>
      %min3A_218 = arith.minimumf %get3A_212, %min3A_217 : vector<16xf32>
      %exp3A_219 = math.exp %min3A_218 : vector<16xf32>
      %sub3A_220 = arith.constant 1.000000e+00 : f32
      %sub3A_221 = vector.broadcast %sub3A_220 : f32 to vector<16xf32>
      %sub3A_222 = arith.subf %exp3A_219, %sub3A_221 : vector<16xf32>
      %select_n3A_223 = arith.select %gt3A_215, %get3A_212, %sub3A_222 : vector<16xi1>, vector<16xf32>
      %swap3A_224 = arith.index_cast %mul3A_209 : i32 to index
      %swap3A_225 = tpu.vector_load %arg5[%swap3A_224] {strides = array<i32>} : memref<24000xf32, #tpu.memory_space<vmem>>, vector<16xf32>,
      %swap3A_226 = vector.shape_cast %swap3A_225 : vector<16xf32> to vector<16xf32>
      %swap3A_227 = vector.shape_cast %select_n3A_223 : vector<16xf32> to vector<16xf32>
      tpu.vector_store %arg5[%swap3A_224], %swap3A_227 {strides = array<i32>} : memref<24000xf32, #tpu.memory_space<vmem>>, vector<16xf32>,
      %mul3A_228 = arith.constant 10 : i32
      %mul3A_229 = arith.muli %scan3A_42, %mul3A_228 : i32
      %add3A_230 = arith.constant 8 : i32
      %add3A_231 = arith.addi %mul3A_229, %add3A_230 : i32
      %mul3A_232 = arith.constant 16 : i32
      %mul3A_233 = arith.muli %add3A_231, %mul3A_232 : i32
      %get3A_234 = arith.index_cast %mul3A_233 : i32 to index
      %get3A_235 = tpu.vector_load %arg4[%get3A_234] {strides = array<i32>} : memref<24000xf32, #tpu.memory_space<vmem>>, vector<16xf32>,
      %get3A_236 = vector.shape_cast %get3A_235 : vector<16xf32> to vector<16xf32>
      %gt3A_237 = arith.constant 0.000000e+00 : f32
      %gt3A_238 = vector.broadcast %gt3A_237 : f32 to vector<16xf32>
      %gt3A_239 = arith.cmpf ogt, %get3A_236, %gt3A_238 : vector<16xf32>
      %min3A_240 = arith.constant 0.000000e+00 : f32
      %min3A_241 = vector.broadcast %min3A_240 : f32 to vector<16xf32>
      %min3A_242 = arith.minimumf %get3A_236, %min3A_241 : vector<16xf32>
      %exp3A_243 = math.exp %min3A_242 : vector<16xf32>
      %sub3A_244 = arith.constant 1.000000e+00 : f32
      %sub3A_245 = vector.broadcast %sub3A_244 : f32 to vector<16xf32>
      %sub3A_246 = arith.subf %exp3A_243, %sub3A_245 : vector<16xf32>
      %select_n3A_247 = arith.select %gt3A_239, %get3A_236, %sub3A_246 : vector<16xi1>, vector<16xf32>
      %swap3A_248 = arith.index_cast %mul3A_233 : i32 to index
      %swap3A_249 = tpu.vector_load %arg5[%swap3A_248] {strides = array<i32>} : memref<24000xf32, #tpu.memory_space<vmem>>, vector<16xf32>,
      %swap3A_250 = vector.shape_cast %swap3A_249 : vector<16xf32> to vector<16xf32>
      %swap3A_251 = vector.shape_cast %select_n3A_247 : vector<16xf32> to vector<16xf32>
      tpu.vector_store %arg5[%swap3A_248], %swap3A_251 {strides = array<i32>} : memref<24000xf32, #tpu.memory_space<vmem>>, vector<16xf32>,
      %mul3A_252 = arith.constant 10 : i32
      %mul3A_253 = arith.muli %scan3A_42, %mul3A_252 : i32
      %add3A_254 = arith.constant 9 : i32
      %add3A_255 = arith.addi %mul3A_253, %add3A_254 : i32
      %mul3A_256 = arith.constant 16 : i32
      %mul3A_257 = arith.muli %add3A_255, %mul3A_256 : i32
      %get3A_258 = arith.index_cast %mul3A_257 : i32 to index
      %get3A_259 = tpu.vector_load %arg4[%get3A_258] {strides = array<i32>} : memref<24000xf32, #tpu.memory_space<vmem>>, vector<16xf32>,
      %get3A_260 = vector.shape_cast %get3A_259 : vector<16xf32> to vector<16xf32>
      %gt3A_261 = arith.constant 0.000000e+00 : f32
      %gt3A_262 = vector.broadcast %gt3A_261 : f32 to vector<16xf32>
      %gt3A_263 = arith.cmpf ogt, %get3A_260, %gt3A_262 : vector<16xf32>
      %min3A_264 = arith.constant 0.000000e+00 : f32
      %min3A_265 = vector.broadcast %min3A_264 : f32 to vector<16xf32>
      %min3A_266 = arith.minimumf %get3A_260, %min3A_265 : vector<16xf32>
      %exp3A_267 = math.exp %min3A_266 : vector<16xf32>
      %sub3A_268 = arith.constant 1.000000e+00 : f32
      %sub3A_269 = vector.broadcast %sub3A_268 : f32 to vector<16xf32>
      %sub3A_270 = arith.subf %exp3A_267, %sub3A_269 : vector<16xf32>
      %select_n3A_271 = arith.select %gt3A_263, %get3A_260, %sub3A_270 : vector<16xi1>, vector<16xf32>
      %swap3A_272 = arith.index_cast %mul3A_257 : i32 to index
      %swap3A_273 = tpu.vector_load %arg5[%swap3A_272] {strides = array<i32>} : memref<24000xf32, #tpu.memory_space<vmem>>, vector<16xf32>,
      %swap3A_274 = vector.shape_cast %swap3A_273 : vector<16xf32> to vector<16xf32>
      %swap3A_275 = vector.shape_cast %select_n3A_271 : vector<16xf32> to vector<16xf32>
      tpu.vector_store %arg5[%swap3A_272], %swap3A_275 {strides = array<i32>} : memref<24000xf32, #tpu.memory_space<vmem>>, vector<16xf32>,
    }
    %scan3A_41 = arith.constant 150 : i32
    "tpu.region"() ({
      %run_scoped3A = tpu.sem_alloc : memref<!tpu.dma_semaphore, #tpu.memory_space<semaphore_mem>>
      %dma_start3A = tpu.memref_slice %arg3[%add3A_35] : memref<3840000xf32, #tpu.memory_space<hbm>> -> memref<24000xf32, #tpu.memory_space<hbm>>
      %dma_start3A_42 = tpu.memref_slice %arg3[%add3A_35] : memref<3840000xf32, #tpu.memory_space<hbm>> -> memref<24000xf32, #tpu.memory_space<hbm>>
      tpu.enqueue_dma source(%arg5 : memref<24000xf32, #tpu.memory_space<vmem>>) target(%dma_start3A_42 : memref<24000xf32, #tpu.memory_space<hbm>>) target_semaphore(%run_scoped3A : memref<!tpu.dma_semaphore, #tpu.memory_space<semaphore_mem>>)
      %dma_wait3A = tpu.memref_slice %arg3[%add3A_35] : memref<3840000xf32, #tpu.memory_space<hbm>> -> memref<24000xf32, #tpu.memory_space<hbm>>
      %dma_wait3A_43 = tpu.memref_slice %arg3[%add3A_35] : memref<3840000xf32, #tpu.memory_space<hbm>> -> memref<24000xf32, #tpu.memory_space<hbm>>
      tpu.wait_dma2 semaphore(%run_scoped3A : memref<!tpu.dma_semaphore, #tpu.memory_space<semaphore_mem>>) src(%arg5 : memref<24000xf32, #tpu.memory_space<vmem>>) dst(%dma_wait3A_43 : memref<24000xf32, #tpu.memory_space<hbm>>)
      tpu.yield
    }) : () -> ()
    return
  }
}

module attributes {stable_mosaic.version = 14 : i64} {
  func.func @_elu_tile(%arg0: i32, %arg1: memref<10000x384xf32, #tpu.memory_space<vmem>>, %arg2: memref<10000x384xf32, #tpu.memory_space<vmem>>) attributes {dimension_semantics = [#tpu.dimension_semantics<parallel>], iteration_bounds = array<i64: 16>, scalar_prefetch = 0 : i64, scratch_operands = 0 : i64, tpu.core_type = #tpu.core_type<tc>, window_params = [{transform_indices = @transform_0, window_bounds = array<i64: 10000, 384>}, {transform_indices = @transform_1, window_bounds = array<i64: 10000, 384>}]} {
    %get3A = arith.constant 0 : index
    %get3A_0 = arith.constant 0 : index
    %get3A_1 = vector.load %arg1[%get3A, %get3A_0] : memref<10000x384xf32, #tpu.memory_space<vmem>>, vector<10000x384xf32>
    %gt3A = arith.constant 0.000000e+00 : f32
    %gt3A_2 = vector.broadcast %gt3A : f32 to vector<10000x384xf32>
    %gt3A_3 = arith.cmpf ogt, %get3A_1, %gt3A_2 : vector<10000x384xf32>
    %min3A = arith.constant 0.000000e+00 : f32
    %min3A_4 = vector.broadcast %min3A : f32 to vector<10000x384xf32>
    %min3A_5 = arith.minimumf %get3A_1, %min3A_4 : vector<10000x384xf32>
    %exp3A = math.exp %min3A_5 : vector<10000x384xf32>
    %sub3A = arith.constant 1.000000e+00 : f32
    %sub3A_6 = vector.broadcast %sub3A : f32 to vector<10000x384xf32>
    %sub3A_7 = arith.subf %exp3A, %sub3A_6 : vector<10000x384xf32>
    %select_n3A = arith.select %gt3A_3, %get3A_1, %sub3A_7 : vector<10000x384xi1>, vector<10000x384xf32>
    %swap3A = arith.constant 0 : index
    %swap3A_8 = arith.constant 0 : index
    %swap3A_9 = vector.load %arg2[%swap3A, %swap3A_8] : memref<10000x384xf32, #tpu.memory_space<vmem>>, vector<10000x384xf32>
    tpu.vector_store %arg2[%swap3A, %swap3A_8], %select_n3A {strides = array<i32>} : memref<10000x384xf32, #tpu.memory_space<vmem>>, vector<10000x384xf32>,
    return
  }
  func.func @transform_0(%arg0: i32) -> (i32, i32) {
    %c0_i32 = arith.constant 0 : i32
    %c0_i32_0 = arith.constant 0 : i32
    return %arg0, %c0_i32 : i32, i32
  }
  func.func @transform_1(%arg0: i32) -> (i32, i32) {
    %c0_i32 = arith.constant 0 : i32
    %c0_i32_0 = arith.constant 0 : i32
    return %arg0, %c0_i32 : i32, i32
  }
}

</mosaic_0001>

<sc_bundles>
// kernel: kernel.4.cloned.1.call-start
scs
__scs_entry_jumppad:
0x0: {  	(pc) =	sbr.rel $0x88, $3  }
0x1: {  	(tag) =	ssettag $0x0;
	lr =	simm.s32 $0x1  }
0x2: {  	[smem:$0x3F9F] =	sst lr;
	_ =	strace $0xD0000000  }
0x3: {  	_ = 	snop  }
0x4: {  	_ = 	snop  }
0x5: {  	_ = 	snop  }
0x6: {  	_ = 	snop  }
0x7: {  	_ = 	snop  }
__scs_overlays_trampoline_lowered:
0x8: {  	[smem:$0x3FAE] =	sst s0  }
0x9: {  	[smem:$0x3FAF] =	sst s1  }
0xa: {  	[smem:$0x3FB0] =	sst s2  }
0xb: {  	[smem:$0x3FB1] =	sst s3  }
0xc: {  	[smem:$0x3FB2] =	sst s4  }
0xd: {  	[smem:$0x3FB3] =	sst s5  }
0xe: {  	[smem:$0x3FB4] =	sst s6  }
0xf: {  	[smem:$0x3FB5] =	sst s7  }
0x10: {  	[smem:$0x3FB6] =	sst s8  }
0x11: {  	[smem:$0x3FB7] =	sst s9;
	s0 =	simm.s32 @!p0 $0x0  }
0x12: {  	s1 =	sld [smem:$0x3F9D];
	s0 =	simm.s32 @p0 $0x1  }
0x13: {  	[smem:$0x3FB8] =	sst s0;
	s0 =	simm.s32 @!p1 $0x0  }
0x14: {  	s2 =	sld [smem:$0x3F9C];
	s0 =	simm.s32 @p1 $0x1  }
0x15: {  	[smem:$0x3FB9] =	sst s0;
	s0 =	simm.s32 @!p2 $0x0  }
0x16: {  	s3 =	sld [smem:$0x3FDB];
	s0 =	simm.s32 @p2 $0x1  }
0x17: {  	s4 =	simm.s32 $0x1BF5;
	[smem:$0x3FBB] =	sst s0  }
0x18: {  	s0 =	sld [smem:$0x3F9E];
	_ =	swait.ge [sflag:s4], $0x0  }
0x19: {  	s7 =	sld [smem:$0x3F9F]  }
0x1a: {  	s8 =	sadd.s32 $0xFFFFE003, lr  }
0x1b: {  	s9 =	sadd.s32 $0xFFFFFEF7, lr;
	s5 =	simm.s32 $0xFFFFFFFF;
	p2 =	slt.u32 s8, $0xFFFFF086  }
0x1c: {  	p1 =	slt.u32 s9, $0xF7A;
	s5 =	simm.s32 @!p2 $0x0  }
0x1d: {  	s5 =	simm.s32 @p1 $0x1;
	p0 =	seq.s32 s7, s2  }
0x1e: {  	s7 =	smul.u32 @!p0 $0xF7A, s2;
	p2 =	seq.s32 @!p0 s5, $0x0  }
0x1f: {  	s9 =	smul.u32 $0xF7A, s1;
	s8 =	simm.s32 @!p0 $0x1BF5;
	p2 =	por !p2, p0  }
0x20: {  	[sflag:s8] =	ssyncset.s32 @!p0 $0xFFFFF086;
	s6 =	sadd.s32 @!p0 s3, s7;
	s7 =	simm.s32 @!p0 $0x108  }
0x21: {  	s3 =	sadd.s32 s3, s9;
	s6 =	sadd.s32 @!p0 $0x88, s6;
	s7 =	simm.s32 @p2 $0x1082  }
0x22: {  	[simem:s7], [sflag:s8] =	dma.local @!p0 [hbm:s6], $0xF7A  }
0x23: {  	s9 =	sor.u32 $0xD0000000, s2;
	s6 =	simm.s32 $0x108;
	_ =	swait.ge @!p0 [sflag:s8], $0x0  }
0x24: {  	s3 =	sadd.s32 $0x88, s3;
	s6 =	simm.s32 @!p1 $0x1082;
	[sflag:s4] =	ssyncset.s32 $0xFFFFF086  }
0x25: {  	[simem:s6], [sflag:s4] =	dma.local [hbm:s3], $0xF7A  }
0x26: {  	[smem:$0x3F9F] =	sst s1;
	(tag) =	ssettag s2;
	_ =	strace s9  }
0x27: {  	s1 =	sld [smem:$0x3FAF]  }
0x28: {  	s2 =	sld [smem:$0x3FB0]  }
0x29: {  	s4 =	sld [smem:$0x3FB2]  }
0x2a: {  	p0 =	seq.s32 s5, $0x0;
	s5 =	sld [smem:$0x3FB3]  }
0x2b: {  	s6 =	sld [smem:$0x3FB4]  }
0x2c: {  	s7 =	sld [smem:$0x3FB5]  }
0x2d: {  	s3 =	simm.s32 $0x108;
	s8 =	sld [smem:$0x3FB6]  }
0x2e: {  	s3 =	simm.s32 @!p0 $0x1082;
	s9 =	sld [smem:$0x3FB7]  }
0x2f: {  	lr =	sadd.s32 s0, s3;
	s0 =	sld [smem:$0x3FAE]  }
0x30: {  	s3 =	sld [smem:$0x3FB1]  }
0x31: {  	[smem:$0x3FBA] =	sst s10  }
0x32: {  	s10 =	sld [smem:$0x3FB8];
	_ =	sdelay $0x3  }
0x33: {  	p0 =	seq.s32 s10, $0x1;
	s10 =	sld [smem:$0x3FBA];
	_ =	sdelay $0x3  }
0x34: {  	[smem:$0x3FBA] =	sst s10  }
0x35: {  	s10 =	sld [smem:$0x3FB9];
	_ =	sdelay $0x3  }
0x36: {  	p1 =	seq.s32 s10, $0x1;
	s10 =	sld [smem:$0x3FBA];
	_ =	sdelay $0x3  }
0x37: {  	[smem:$0x3FBA] =	sst s10  }
0x38: {  	s10 =	sld [smem:$0x3FBB]  }
0x39: {  	_ = 	snop;
	(pc) =	sbr.ind lr, $3  }
0x3a: {  	_ = 	snop  }
0x3b: {  	_ = 	snop  }
0x3c: {  	p2 =	seq.s32 s10, $0x1;
	s10 =	sld [smem:$0x3FBA]  }
0x3d: {  	_ =	shalt  }
0x3e: {  	_ =	shalt  }
0x3f: {  	_ =	shalt  }
0x40: {  	_ =	shalt  }
0x41: {  	_ =	shalt  }
0x42: {  	_ =	shalt  }
0x43: {  	_ =	shalt  }
0x44: {  	_ =	shalt  }
0x45: {  	_ =	shalt  }
0x46: {  	_ =	shalt  }
0x47: {  	_ =	shalt  }
0x48: {  	_ =	shalt  }
0x49: {  	_ =	shalt  }
0x4a: {  	_ =	shalt  }
0x4b: {  	_ =	shalt  }
0x4c: {  	_ =	shalt  }
0x4d: {  	_ =	shalt  }
0x4e: {  	_ =	shalt  }
0x4f: {  	_ =	shalt  }
0x50: {  	_ =	shalt  }
0x51: {  	_ =	shalt  }
0x52: {  	_ =	shalt  }
0x53: {  	_ =	shalt  }
0x54: {  	_ =	shalt  }
0x55: {  	_ =	shalt  }
0x56: {  	_ =	shalt  }
0x57: {  	_ =	shalt  }
0x58: {  	_ =	shalt  }
0x59: {  	_ =	shalt  }
0x5a: {  	_ =	shalt  }
0x5b: {  	_ =	shalt  }
0x5c: {  	_ =	shalt  }
0x5d: {  	_ =	shalt  }
0x5e: {  	_ =	shalt  }
0x5f: {  	_ =	shalt  }
0x60: {  	_ =	shalt  }
0x61: {  	_ =	shalt  }
0x62: {  	_ =	shalt  }
0x63: {  	_ =	shalt  }
0x64: {  	_ =	shalt  }
0x65: {  	_ =	shalt  }
0x66: {  	_ =	shalt  }
0x67: {  	_ =	shalt  }
0x68: {  	_ =	shalt  }
0x69: {  	_ =	shalt  }
0x6a: {  	_ =	shalt  }
0x6b: {  	_ =	shalt  }
0x6c: {  	_ =	shalt  }
0x6d: {  	_ =	shalt  }
0x6e: {  	_ =	shalt  }
0x6f: {  	_ =	shalt  }
0x70: {  	_ =	shalt  }
0x71: {  	_ =	shalt  }
0x72: {  	_ =	shalt  }
0x73: {  	_ =	shalt  }
0x74: {  	_ =	shalt  }
0x75: {  	_ =	shalt  }
0x76: {  	_ =	shalt  }
0x77: {  	_ =	shalt  }
0x78: {  	_ =	shalt  }
0x79: {  	_ =	shalt  }
0x7a: {  	_ =	shalt  }
0x7b: {  	_ =	shalt  }
0x7c: {  	_ =	shalt  }
0x7d: {  	_ =	shalt  }
0x7e: {  	_ =	shalt  }
0x7f: {  	_ =	shalt  }
0x80: {  	_ =	shalt  }
0x81: {  	_ =	shalt  }
0x82: {  	_ =	shalt  }
0x83: {  	_ =	shalt  }
0x84: {  	_ =	shalt  }
0x85: {  	_ =	shalt  }
0x86: {  	_ =	shalt  }
0x87: {  	_ =	shalt  }
.Lfunc_end0:
.L_simem_size_0:
called_computation_lowered:
.L_overlay_start_0:
0x88: {  	s2 =	sld [smem:$0x3FD9]  }
0x89: {  	s3 =	sld [smem:$0x3FFE];
	_ =	sdelay $0x1  }
0x8a: {  	s1 =	srdreg.scid  }
0x8b: {  	s0 =	sand.u32 $0x1, s1  }
0x8c: {  	s14 =	sshll.u32 s0, $0xA;
	s2 =	sadd.s32 s3, s2  }
0x8d: {  	s2 =	sadd.s32 s2, s14  }
0x8e: {  	[smem:$0x3FC6] =	sst s2  }
0x8f: {  	_ = 	snop  }
0x90: {  	s2 =	sld [smem:$0x3FD0];
	_ =	sdelay $0x2  }
0x91: {  	s15 =	simm.s32 $0xA;
	s4 =	simm.s32 $0x10  }
0x92: {  	[smem:s4], [sflag:s15] =	dma.local [hbm:s2], $0x1  }
0x93: {  	_ =	swait.eq [sflag:s15], $0x1  }
0x94: {  	[sflag:s15] =	ssyncset.done $0x0  }
0x95: {  	[sflag:s15] =	ssyncadd.s32 $0xFFFFFFFF  }
0x96: {  	s16 =	sld [smem:$0x10];
	(tm) =	ssettm $0x1  }
0x97: {  	s17 =	sld [smem:$0x3FFB];
	_ =	sdelay $0x3  }
0x98: {  	_ =	strace s17  }
0x99: {  	s3 =	sld [smem:$0x3FFC];
	_ =	sdelay $0x3  }
0x9a: {  	_ =	strace s3  }
0x9b: {  	s3 =	sld [smem:$0x3FFD];
	_ =	sdelay $0x3  }
0x9c: {  	_ =	strace s3  }
0x9d: {  	_ =	strace $0x8FFFFFFF  }
0x9e: {  	s18 =	sld [smem:$0x3FDB];
	_ =	sdelay $0x1  }
0x9f: {  	s19 =	simm.s32 $_scs_section_size  }
0xa0: {  	s5 =	simm.s32 $_size__tile_overlayer_lowered;
	s6 =	simm.s32 $_tile_overlayer_lowered  }
0xa1: {  	s22 =	simm.s32 $0x1BFF;
	s21 =	sshll.u32 s6, $0x1;
	s3 =	sadd.s32 s19, s18  }
0xa2: {  	s7 =	simm.s32 $0x0;
	s20 =	sshll.u32 s5, $0x1;
	s5 =	sadd.s32 s21, s3  }
0xa3: {  	[timem:s7], [sflag:s22] =	dma.local [hbm:s5], s20  }
0xa4: {  	_ =	swait.ge [sflag:s22], s20  }
0xa5: {  	s4 =	ssub.s32 $0x0, s20;
	[sflag:s22] =	ssyncset.done $0x0  }
0xa6: {  	[sflag:s22] =	ssyncadd.s32 s4;
	_ =	sdelay $0x1  }
0xa7: {  	s23 =	simm.s32 $0x1B8B  }
0xa8: {  	_ =	swait.ge [sflag:s23], $0x1  }
0xa9: {  	[sflag:s23] =	ssyncset.done $0x0  }
0xaa: {  	s25 =	simm.s32 $0x1B8E;
	s24 =	sld [smem:$0x3FFE];
	[sflag:s23] =	ssyncadd.s32 $0xFFFFFFFF  }
0xab: {  	s26 =	simm.s32 $execute0_lowered;
	[smem:$0x3FD2] =	sst s25  }
0xac: {  	s5 =	sshll.u32 s26, $0x1;
	_ =	strace $0x80000046;
	[dreg:$0x1] =	wrdreg $0xFFFFFFFF  }
0xad: {  	s28 =	simm.s32 $_size_execute0_lowered;
	s3 =	sadd.s32 s3, s5;
	[dreg:$0x0] =	wrdreg $0x0  }
0xae: {  	s5 =	sshll.u32 s28, $0x1;
	[dreg:$0x2] =	wrdreg s3  }
0xaf: {  	[dreg:$0x3] =	wrdreg s5  }
0xb0: {  	[dreg:$0x4] =	wrdreg $0xC0  }
0xb1: {  	_ =	task [dreg:s7], $0x5FFFF  }
0xb2: {  	[dreg:$0x1] =	wrdreg $0xFFFFFFFF  }
0xb3: {  	[dreg:$0x0] =	wrdreg $0x60  }
0xb4: {  	[dreg:$0x2] =	wrdreg s16  }
0xb5: {  	[dreg:$0x3] =	wrdreg s24  }
0xb6: {  	[dreg:$0x4] =	wrdreg $0x9  }
0xb7: {  	_ =	task.clear_ibuf [dreg:s7], $0x5FFFF;
	_ =	strace $0x90000046  }
0xb8: {  	s29 =	simm.s32 $0x9;
	_ =	strace $0x80000048  }
0xb9: {  	_ =	swait.ge [sflag:s29], $0x1  }
0xba: {  	[sflag:s29] =	ssyncadd.s32 $0xFFFFFFFF  }
0xbb: {  	_ =	strace $0x90000048  }
0xbc: {  	_ =	sfence  }
0xbd: {  	s30 =	sld [smem:$0x0];
	_ =	sdelay $0x2  }
0xbe: {  	s31 =	sshll.u32 s1, $0xD;
	s1 =	sshrl.u32 s1, $0x2  }
0xbf: {  	s3 =	sand.u32 $0x4000, s31;
	s1 =	sadd.s32 s1, s30  }
0xc0: {  	s0 =	sor.u32 s3, s0;
	s1 =	sshll.u32 s1, $0x11  }
0xc1: {  	s0 =	sor.u32 s1, s0  }
0xc2: {  	s0 =	sadd.s32 $0x8F2B, s0  }
0xc3: {  	[sflag:s0] =	ssyncadd.remote.s32 $0x1  }
0xc4: {  	_ =	sfence.sel $0xFFFF  }
0xc5: {  	[dreg:$0x0] =	wrdreg $0xFFFFFFFF;
	(pc) =	sbr.abs _section_cstart, $3  }
0xc6: {  	[dreg:$0x1] =	wrdreg $0xFFFFFFFF  }
0xc7: {  	_ =	task.clear_ibuf [dreg:s7], $0x2FFFF;
	_ =	strace $0x9FFFFFFF  }
0xc8: {  	(tm) =	ssettm $0x7FFFFFFF  }
0xc9: {  	_ =	shalt  }
tec
execute0_lowered:
.L_overlay_start_1:
0x0: {  	(tag) =	ssettag $0x1  }
0x1: {  	s11 =	rddreg [dreg:$0x0];
	s1 =	srdreg.scid  }
0x2: {  	s0 =	stileid.u32;
	s3 =	rddreg [dreg:$0x1];
	s2 =	simm.s32 $0x0  }
0x3: {  	s15 =	simm.s32 $0x5E00;
	s4 =	sand.u32 $0x1, s1;
	s5 =	sshll.u32 s0, $0x1  }
0x4: {  	s16 =	simm.s32 $0x0;
	s5 =	sor.u32 s4, s5;
	s4 =	ssub.s32 $0x2, s4  }
0x5: {  	s1 =	rddreg [dreg:$0x2];
	s5 =	smul.u32 $0x1D4C0, s5;
	s6 =	sshrl.u32 s4, $0x1  }
0x6: {  	[smem:$0x7FF] =	sst s2;
	s12 =	sadd.s32 $0x400, s3;
	s13 =	ssub.s32 s4, s6  }
0x7: {  	_ =	strace $0x80000047;
	s14 =	sshrl.u32 s5, $0x3;
	s13 =	smax.u32 s13, $0x1  }
0x8: {  	s3 =	sadd.s32 s11, s14;
	s4 =	sadd.s32 s12, s14;
	s31 =	sadd.s32 $0xBB8, s14  }
0x9: {  	s8 =	sadd.s32 $0x1770, s14;
	s10 =	sadd.s32 $0x2328, s14;
	s14 =	sadd.s32 $0x2EE0, s14  }
0xa: {  	s5 =	sadd.s32 s11, s31;
	s6 =	sadd.s32 s12, s31;
	s7 =	sadd.s32 s11, s8  }
0xb: {  	s8 =	sadd.s32 s12, s8;
	s9 =	sadd.s32 s11, s10;
	s10 =	sadd.s32 s12, s10  }
0xc: {  	s11 =	sadd.s32 s11, s14;
	s12 =	sadd.s32 s12, s14;
	s14 =	simm.s32 $0x1  }
.LBB2_1:
0xd: {  	[tilespmem:s2], [sflag:$0x1] =	stream.linear.gather [hbm4b:s3+s2], $0x5DC0, $0x38;
	[tilespmem:$0xBC00] =	vst v63  }
0xe: {  	_ =	swait.ge [sflag:s14], $0x5DC0  }
0xf: {  	[sflag:s14] =	ssyncset.done $0x0  }
0x10: {  	s17 =	simm.s32 $0x50;
	[sflag:s14] =	ssyncadd.s32 $0xFFFFA240  }
0x11: {  	v0 =	vld [tilespmem:s17+$0xFFFFFFB0];
	_ =	sdelay $0x4  }
0x12: {  	v1 =	vmin.f32 v0, $0.0e+00  }
0x13: {  	v1 =	vmul.f32 $1.442695020e+00, v1;
	_ =	sdelay $0x1  }
0x14: {  	(erf) = vpow2.f32 v1;
	_ =	sdelay $0x8  }
0x15: {  	v1 =	vpop (erf)  }
0x16: {  	v1 =	vadd.f32 $-1.000000000e+00, v1  }
0x17: {  	vm0 =	vgt.f32 v0, $0.0e+00  }
0x18: {  	s18 =	simm.s32 $0x5E50;
	v0 =	vsel vm0, v0, v1  }
0x19: {  	[tilespmem:s18+$0xFFFFFFB0] =	vst v0  }
0x1a: {  	v0 =	vld [tilespmem:s17+$0xFFFFFFC0];
	_ =	sdelay $0x4  }
0x1b: {  	v1 =	vmin.f32 v0, $0.0e+00  }
0x1c: {  	v1 =	vmul.f32 $1.442695020e+00, v1;
	_ =	sdelay $0x1  }
0x1d: {  	(erf) = vpow2.f32 v1;
	_ =	sdelay $0x8  }
0x1e: {  	v1 =	vpop (erf)  }
0x1f: {  	v1 =	vadd.f32 $-1.000000000e+00, v1  }
0x20: {  	vm7 =	vgt.f32 v0, $0.0e+00  }
0x21: {  	v0 =	vsel vm7, v0, v1  }
0x22: {  	[tilespmem:s18+$0xFFFFFFC0] =	vst v0  }
0x23: {  	v0 =	vld [tilespmem:s17+$0xFFFFFFD0];
	_ =	sdelay $0x4  }
0x24: {  	v1 =	vmin.f32 v0, $0.0e+00  }
0x25: {  	v1 =	vmul.f32 $1.442695020e+00, v1;
	_ =	sdelay $0x1  }
0x26: {  	(erf) = vpow2.f32 v1;
	_ =	sdelay $0x8  }
0x27: {  	v1 =	vpop (erf)  }
0x28: {  	v1 =	vadd.f32 $-1.000000000e+00, v1  }
0x29: {  	vm8 =	vgt.f32 v0, $0.0e+00  }
0x2a: {  	v0 =	vsel vm8, v0, v1  }
0x2b: {  	[tilespmem:s18+$0xFFFFFFD0] =	vst v0  }
0x2c: {  	v0 =	vld [tilespmem:s17+$0xFFFFFFE0];
	_ =	sdelay $0x4  }
0x2d: {  	v1 =	vmin.f32 v0, $0.0e+00  }
0x2e: {  	v1 =	vmul.f32 $1.442695020e+00, v1;
	_ =	sdelay $0x1  }
0x2f: {  	(erf) = vpow2.f32 v1;
	_ =	sdelay $0x8  }
0x30: {  	v1 =	vpop (erf)  }
0x31: {  	v1 =	vadd.f32 $-1.000000000e+00, v1  }
0x32: {  	vm9 =	vgt.f32 v0, $0.0e+00  }
0x33: {  	v0 =	vsel vm9, v0, v1  }
0x34: {  	[tilespmem:s18+$0xFFFFFFE0] =	vst v0  }
0x35: {  	v0 =	vld [tilespmem:s17+$0xFFFFFFF0];
	_ =	sdelay $0x4  }
0x36: {  	v1 =	vmin.f32 v0, $0.0e+00  }
0x37: {  	v1 =	vmul.f32 $1.442695020e+00, v1;
	_ =	sdelay $0x1  }
0x38: {  	(erf) = vpow2.f32 v1;
	_ =	sdelay $0x8  }
0x39: {  	v1 =	vpop (erf)  }
0x3a: {  	v1 =	vadd.f32 $-1.000000000e+00, v1  }
0x3b: {  	vm10 =	vgt.f32 v0, $0.0e+00  }
0x3c: {  	v0 =	vsel vm10, v0, v1  }
0x3d: {  	[tilespmem:s18+$0xFFFFFFF0] =	vst v0  }
0x3e: {  	v0 =	vld [tilespmem:s17+$0x0];
	_ =	sdelay $0x4  }
0x3f: {  	v1 =	vmin.f32 v0, $0.0e+00  }
0x40: {  	v1 =	vmul.f32 $1.442695020e+00, v1;
	_ =	sdelay $0x1  }
0x41: {  	(erf) = vpow2.f32 v1;
	_ =	sdelay $0x8  }
0x42: {  	v1 =	vpop (erf)  }
0x43: {  	v1 =	vadd.f32 $-1.000000000e+00, v1  }
0x44: {  	vm11 =	vgt.f32 v0, $0.0e+00  }
0x45: {  	v0 =	vsel vm11, v0, v1  }
0x46: {  	[tilespmem:s18+$0x0] =	vst v0  }
0x47: {  	v0 =	vld [tilespmem:s17+$0x10];
	_ =	sdelay $0x4  }
0x48: {  	v1 =	vmin.f32 v0, $0.0e+00  }
0x49: {  	v1 =	vmul.f32 $1.442695020e+00, v1;
	_ =	sdelay $0x1  }
0x4a: {  	(erf) = vpow2.f32 v1;
	_ =	sdelay $0x8  }
0x4b: {  	v1 =	vpop (erf)  }
0x4c: {  	v1 =	vadd.f32 $-1.000000000e+00, v1  }
0x4d: {  	vm12 =	vgt.f32 v0, $0.0e+00  }
0x4e: {  	v0 =	vsel vm12, v0, v1  }
0x4f: {  	[tilespmem:s18+$0x10] =	vst v0  }
0x50: {  	v0 =	vld [tilespmem:s17+$0x20];
	_ =	sdelay $0x4  }
0x51: {  	v1 =	vmin.f32 v0, $0.0e+00  }
0x52: {  	v1 =	vmul.f32 $1.442695020e+00, v1;
	_ =	sdelay $0x1  }
0x53: {  	(erf) = vpow2.f32 v1;
	_ =	sdelay $0x8  }
0x54: {  	v1 =	vpop (erf)  }
0x55: {  	v1 =	vadd.f32 $-1.000000000e+00, v1  }
0x56: {  	vm13 =	vgt.f32 v0, $0.0e+00  }
0x57: {  	v0 =	vsel vm13, v0, v1  }
0x58: {  	s19 =	sand.u32 $0xFFE0, s2;
	[tilespmem:s18+$0x20] =	vst v0  }
0x59: {  	v0 =	vld [tilespmem:s19+$0x80];
	_ =	sdelay $0x4  }
0x5a: {  	v1 =	vmin.f32 v0, $0.0e+00  }
0x5b: {  	v1 =	vmul.f32 $1.442695020e+00, v1;
	_ =	sdelay $0x1  }
0x5c: {  	(erf) = vpow2.f32 v1;
	_ =	sdelay $0x8  }
0x5d: {  	v1 =	vpop (erf)  }
0x5e: {  	v1 =	vadd.f32 $-1.000000000e+00, v1  }
0x5f: {  	vm14 =	vgt.f32 v0, $0.0e+00  }
0x60: {  	v0 =	vsel vm14, v0, v1  }
0x61: {  	[tilespmem:s19+$0x5E80] =	vst v0  }
0x62: {  	v0 =	vld [tilespmem:s17+$0x40];
	_ =	sdelay $0x4  }
0x63: {  	v1 =	vmin.f32 v0, $0.0e+00  }
0x64: {  	v1 =	vmul.f32 $1.442695020e+00, v1;
	_ =	sdelay $0x1  }
0x65: {  	(erf) = vpow2.f32 v1;
	_ =	sdelay $0x8  }
0x66: {  	v1 =	vpop (erf)  }
0x67: {  	v1 =	vadd.f32 $-1.000000000e+00, v1  }
0x68: {  	vm15 =	vgt.f32 v0, $0.0e+00  }
0x69: {  	s19 =	simm.s32 $0xA0;
	v0 =	vsel vm15, v0, v1  }
.LBB2_2:
0x6a: {  	p0 =	sne.s32 s19, $0x5D20;
	[tilespmem:s18+$0x40] =	vst v0;
	s17 =	sadd.s32 $0xA0, s17;
	s18 =	sadd.s32 $0xA0, s18  }
0x6b: {  	s20 =	smov.u32 s19;
	s19 =	sadd.s32 $0xA0, s19;
	v0 =	vld [tilespmem:s17+$0xFFFFFFB0];
	_ =	sdelay $0x4  }
0x6c: {  	v1 =	vmin.f32 v0, $0.0e+00  }
0x6d: {  	v1 =	vmul.f32 $1.442695020e+00, v1;
	_ =	sdelay $0x1  }
0x6e: {  	(erf) = vpow2.f32 v1;
	_ =	sdelay $0x8  }
0x6f: {  	v1 =	vpop (erf)  }
0x70: {  	v1 =	vadd.f32 $-1.000000000e+00, v1  }
0x71: {  	vm0 =	vgt.f32 v0, $0.0e+00  }
0x72: {  	v0 =	vsel vm0, v0, v1  }
0x73: {  	[tilespmem:s18+$0xFFFFFFB0] =	vst v0  }
0x74: {  	v0 =	vld [tilespmem:s17+$0xFFFFFFC0];
	_ =	sdelay $0x4  }
0x75: {  	v1 =	vmin.f32 v0, $0.0e+00  }
0x76: {  	v1 =	vmul.f32 $1.442695020e+00, v1;
	_ =	sdelay $0x1  }
0x77: {  	(erf) = vpow2.f32 v1;
	_ =	sdelay $0x8  }
0x78: {  	v1 =	vpop (erf)  }
0x79: {  	v1 =	vadd.f32 $-1.000000000e+00, v1  }
0x7a: {  	vm0 =	vgt.f32 v0, $0.0e+00  }
0x7b: {  	v0 =	vsel vm0, v0, v1  }
0x7c: {  	[tilespmem:s18+$0xFFFFFFC0] =	vst v0  }
0x7d: {  	v0 =	vld [tilespmem:s17+$0xFFFFFFD0];
	_ =	sdelay $0x4  }
0x7e: {  	v1 =	vmin.f32 v0, $0.0e+00  }
0x7f: {  	v1 =	vmul.f32 $1.442695020e+00, v1;
	_ =	sdelay $0x1  }
0x80: {  	(erf) = vpow2.f32 v1;
	_ =	sdelay $0x8  }
0x81: {  	v1 =	vpop (erf)  }
0x82: {  	v1 =	vadd.f32 $-1.000000000e+00, v1  }
0x83: {  	vm0 =	vgt.f32 v0, $0.0e+00  }
0x84: {  	v0 =	vsel vm0, v0, v1  }
0x85: {  	[tilespmem:s18+$0xFFFFFFD0] =	vst v0  }
0x86: {  	v0 =	vld [tilespmem:s17+$0xFFFFFFE0];
	_ =	sdelay $0x4  }
0x87: {  	v1 =	vmin.f32 v0, $0.0e+00  }
0x88: {  	v1 =	vmul.f32 $1.442695020e+00, v1;
	_ =	sdelay $0x1  }
0x89: {  	(erf) = vpow2.f32 v1;
	_ =	sdelay $0x8  }
0x8a: {  	v1 =	vpop (erf)  }
0x8b: {  	v1 =	vadd.f32 $-1.000000000e+00, v1  }
0x8c: {  	vm0 =	vgt.f32 v0, $0.0e+00  }
0x8d: {  	v0 =	vsel vm0, v0, v1  }
0x8e: {  	[tilespmem:s18+$0xFFFFFFE0] =	vst v0  }
0x8f: {  	v0 =	vld [tilespmem:s17+$0xFFFFFFF0];
	_ =	sdelay $0x4  }
0x90: {  	v1 =	vmin.f32 v0, $0.0e+00  }
0x91: {  	v1 =	vmul.f32 $1.442695020e+00, v1;
	_ =	sdelay $0x1  }
0x92: {  	(erf) = vpow2.f32 v1;
	_ =	sdelay $0x8  }
0x93: {  	v1 =	vpop (erf)  }
0x94: {  	v1 =	vadd.f32 $-1.000000000e+00, v1  }
0x95: {  	vm0 =	vgt.f32 v0, $0.0e+00  }
0x96: {  	v0 =	vsel vm0, v0, v1  }
0x97: {  	[tilespmem:s18+$0xFFFFFFF0] =	vst v0  }
0x98: {  	v0 =	vld [tilespmem:s17+$0x0];
	_ =	sdelay $0x4  }
0x99: {  	v1 =	vmin.f32 v0, $0.0e+00  }
0x9a: {  	v1 =	vmul.f32 $1.442695020e+00, v1;
	_ =	sdelay $0x1  }
0x9b: {  	(erf) = vpow2.f32 v1;
	_ =	sdelay $0x8  }
0x9c: {  	v1 =	vpop (erf)  }
0x9d: {  	v1 =	vadd.f32 $-1.000000000e+00, v1  }
0x9e: {  	vm0 =	vgt.f32 v0, $0.0e+00  }
0x9f: {  	v0 =	vsel vm0, v0, v1  }
0xa0: {  	[tilespmem:s18+$0x0] =	vst v0  }
0xa1: {  	v0 =	vld [tilespmem:s17+$0x10];
	_ =	sdelay $0x4  }
0xa2: {  	v1 =	vmin.f32 v0, $0.0e+00  }
0xa3: {  	v1 =	vmul.f32 $1.442695020e+00, v1;
	_ =	sdelay $0x1  }
0xa4: {  	(erf) = vpow2.f32 v1;
	_ =	sdelay $0x8  }
0xa5: {  	v1 =	vpop (erf)  }
0xa6: {  	v1 =	vadd.f32 $-1.000000000e+00, v1  }
0xa7: {  	vm0 =	vgt.f32 v0, $0.0e+00  }
0xa8: {  	v0 =	vsel vm0, v0, v1  }
0xa9: {  	[tilespmem:s18+$0x10] =	vst v0  }
0xaa: {  	v0 =	vld [tilespmem:s17+$0x20];
	_ =	sdelay $0x4  }
0xab: {  	v1 =	vmin.f32 v0, $0.0e+00  }
0xac: {  	v1 =	vmul.f32 $1.442695020e+00, v1;
	_ =	sdelay $0x1  }
0xad: {  	(erf) = vpow2.f32 v1;
	_ =	sdelay $0x8  }
0xae: {  	v1 =	vpop (erf)  }
0xaf: {  	v1 =	vadd.f32 $-1.000000000e+00, v1  }
0xb0: {  	vm0 =	vgt.f32 v0, $0.0e+00  }
0xb1: {  	v0 =	vsel vm0, v0, v1  }
0xb2: {  	s20 =	sand.u32 $0xFFE0, s20;
	[tilespmem:s18+$0x20] =	vst v0  }
0xb3: {  	v0 =	vld [tilespmem:s20+$0x80];
	_ =	sdelay $0x4  }
0xb4: {  	v1 =	vmin.f32 v0, $0.0e+00  }
0xb5: {  	v1 =	vmul.f32 $1.442695020e+00, v1;
	_ =	sdelay $0x1  }
0xb6: {  	(erf) = vpow2.f32 v1;
	_ =	sdelay $0x8  }
0xb7: {  	v1 =	vpop (erf)  }
0xb8: {  	v1 =	vadd.f32 $-1.000000000e+00, v1  }
0xb9: {  	vm0 =	vgt.f32 v0, $0.0e+00  }
0xba: {  	v0 =	vsel vm0, v0, v1  }
0xbb: {  	[tilespmem:s20+$0x5E80] =	vst v0  }
0xbc: {  	v0 =	vld [tilespmem:s17+$0x40];
	_ =	sdelay $0x4  }
0xbd: {  	v1 =	vmin.f32 v0, $0.0e+00  }
0xbe: {  	v1 =	vmul.f32 $1.442695020e+00, v1;
	_ =	sdelay $0x1  }
0xbf: {  	(erf) = vpow2.f32 v1;
	_ =	sdelay $0x7  }
.Ltmp0:
0xc0: {  	(pc) =	sbr.rel @p0 .LBB2_2-.Ltmp0, $4  }
0xc1: {  	v1 =	vpop (erf)  }
0xc2: {  	v1 =	vadd.f32 $-1.000000000e+00, v1  }
0xc3: {  	vm0 =	vgt.f32 v0, $0.0e+00  }
0xc4: {  	v0 =	vsel vm0, v0, v1  }
0xc5: {  	[tilespmem:s18+$0x40] =	vst v0;
	s19 =	simm.s32 $0x0  }
0xc6: {  	[hbm4b:s4+s19] =	stream.linear.scatter [tilespmem:s15], [sflag:$0x1], $0x5DC0, $0x38;
	[tilespmem:$0xBC00] =	vst v63  }
0xc7: {  	_ =	swait.ge [sflag:s14], $0x5DC0  }
0xc8: {  	[sflag:s14] =	ssyncset.done $0x0  }
0xc9: {  	[sflag:s14] =	ssyncadd.s32 $0xFFFFA240  }
0xca: {  	[tilespmem:s19], [sflag:$0x1] =	stream.linear.gather [hbm4b:s5+s19], $0x5DC0, $0x38;
	[tilespmem:$0xBC00] =	vst v63  }
0xcb: {  	_ =	swait.ge [sflag:s14], $0x5DC0  }
0xcc: {  	[sflag:s14] =	ssyncset.done $0x0  }
0xcd: {  	s17 =	simm.s32 $0x50;
	[sflag:s14] =	ssyncadd.s32 $0xFFFFA240  }
0xce: {  	v0 =	vld [tilespmem:s17+$0xFFFFFFB0];
	_ =	sdelay $0x4  }
0xcf: {  	v1 =	vmin.f32 v0, $0.0e+00  }
0xd0: {  	v1 =	vmul.f32 $1.442695020e+00, v1;
	_ =	sdelay $0x1  }
0xd1: {  	(erf) = vpow2.f32 v1;
	_ =	sdelay $0x8  }
0xd2: {  	v1 =	vpop (erf)  }
0xd3: {  	v1 =	vadd.f32 $-1.000000000e+00, v1  }
0xd4: {  	vm0 =	vgt.f32 v0, $0.0e+00  }
0xd5: {  	s18 =	simm.s32 $0x5E50;
	v0 =	vsel vm0, v0, v1  }
0xd6: {  	[tilespmem:s18+$0xFFFFFFB0] =	vst v0  }
0xd7: {  	v0 =	vld [tilespmem:s17+$0xFFFFFFC0];
	_ =	sdelay $0x4  }
0xd8: {  	v1 =	vmin.f32 v0, $0.0e+00  }
0xd9: {  	v1 =	vmul.f32 $1.442695020e+00, v1;
	_ =	sdelay $0x1  }
0xda: {  	(erf) = vpow2.f32 v1;
	_ =	sdelay $0x8  }
0xdb: {  	v1 =	vpop (erf)  }
0xdc: {  	v1 =	vadd.f32 $-1.000000000e+00, v1  }
0xdd: {  	vm7 =	vgt.f32 v0, $0.0e+00  }
0xde: {  	v0 =	vsel vm7, v0, v1  }
0xdf: {  	[tilespmem:s18+$0xFFFFFFC0] =	vst v0  }
0xe0: {  	v0 =	vld [tilespmem:s17+$0xFFFFFFD0];
	_ =	sdelay $0x4  }
0xe1: {  	v1 =	vmin.f32 v0, $0.0e+00  }
0xe2: {  	v1 =	vmul.f32 $1.442695020e+00, v1;
	_ =	sdelay $0x1  }
0xe3: {  	(erf) = vpow2.f32 v1;
	_ =	sdelay $0x8  }
0xe4: {  	v1 =	vpop (erf)  }
0xe5: {  	v1 =	vadd.f32 $-1.000000000e+00, v1  }
0xe6: {  	vm8 =	vgt.f32 v0, $0.0e+00  }
0xe7: {  	v0 =	vsel vm8, v0, v1  }
0xe8: {  	[tilespmem:s18+$0xFFFFFFD0] =	vst v0  }
0xe9: {  	v0 =	vld [tilespmem:s17+$0xFFFFFFE0];
	_ =	sdelay $0x4  }
0xea: {  	v1 =	vmin.f32 v0, $0.0e+00  }
0xeb: {  	v1 =	vmul.f32 $1.442695020e+00, v1;
	_ =	sdelay $0x1  }
0xec: {  	(erf) = vpow2.f32 v1;
	_ =	sdelay $0x8  }
0xed: {  	v1 =	vpop (erf)  }
0xee: {  	v1 =	vadd.f32 $-1.000000000e+00, v1  }
0xef: {  	vm9 =	vgt.f32 v0, $0.0e+00  }
0xf0: {  	v0 =	vsel vm9, v0, v1  }
0xf1: {  	[tilespmem:s18+$0xFFFFFFE0] =	vst v0  }
0xf2: {  	v0 =	vld [tilespmem:s17+$0xFFFFFFF0];
	_ =	sdelay $0x4  }
0xf3: {  	v1 =	vmin.f32 v0, $0.0e+00  }
0xf4: {  	v1 =	vmul.f32 $1.442695020e+00, v1;
	_ =	sdelay $0x1  }
0xf5: {  	(erf) = vpow2.f32 v1;
	_ =	sdelay $0x8  }
0xf6: {  	v1 =	vpop (erf)  }
0xf7: {  	v1 =	vadd.f32 $-1.000000000e+00, v1  }
0xf8: {  	vm10 =	vgt.f32 v0, $0.0e+00  }
0xf9: {  	v0 =	vsel vm10, v0, v1  }
0xfa: {  	[tilespmem:s18+$0xFFFFFFF0] =	vst v0  }
0xfb: {  	v0 =	vld [tilespmem:s17+$0x0];
	_ =	sdelay $0x4  }
0xfc: {  	v1 =	vmin.f32 v0, $0.0e+00  }
0xfd: {  	v1 =	vmul.f32 $1.442695020e+00, v1;
	_ =	sdelay $0x1  }
0xfe: {  	(erf) = vpow2.f32 v1;
	_ =	sdelay $0x8  }
0xff: {  	v1 =	vpop (erf)  }
0x100: {  	v1 =	vadd.f32 $-1.000000000e+00, v1  }
0x101: {  	vm11 =	vgt.f32 v0, $0.0e+00  }
0x102: {  	v0 =	vsel vm11, v0, v1  }
0x103: {  	[tilespmem:s18+$0x0] =	vst v0  }
0x104: {  	v0 =	vld [tilespmem:s17+$0x10];
	_ =	sdelay $0x4  }
0x105: {  	v1 =	vmin.f32 v0, $0.0e+00  }
0x106: {  	v1 =	vmul.f32 $1.442695020e+00, v1;
	_ =	sdelay $0x1  }
0x107: {  	(erf) = vpow2.f32 v1;
	_ =	sdelay $0x8  }
0x108: {  	v1 =	vpop (erf)  }
0x109: {  	v1 =	vadd.f32 $-1.000000000e+00, v1  }
0x10a: {  	vm12 =	vgt.f32 v0, $0.0e+00  }
0x10b: {  	v0 =	vsel vm12, v0, v1  }
0x10c: {  	[tilespmem:s18+$0x10] =	vst v0  }
0x10d: {  	v0 =	vld [tilespmem:s17+$0x20];
	_ =	sdelay $0x4  }
0x10e: {  	v1 =	vmin.f32 v0, $0.0e+00  }
0x10f: {  	v1 =	vmul.f32 $1.442695020e+00, v1;
	_ =	sdelay $0x1  }
0x110: {  	(erf) = vpow2.f32 v1;
	_ =	sdelay $0x8  }
0x111: {  	v1 =	vpop (erf)  }
0x112: {  	v1 =	vadd.f32 $-1.000000000e+00, v1  }
0x113: {  	vm13 =	vgt.f32 v0, $0.0e+00  }
0x114: {  	v0 =	vsel vm13, v0, v1  }
0x115: {  	s19 =	sand.u32 $0xFFE0, s19;
	[tilespmem:s18+$0x20] =	vst v0  }
0x116: {  	v0 =	vld [tilespmem:s19+$0x80];
	_ =	sdelay $0x4  }
0x117: {  	v1 =	vmin.f32 v0, $0.0e+00  }
0x118: {  	v1 =	vmul.f32 $1.442695020e+00, v1;
	_ =	sdelay $0x1  }
0x119: {  	(erf) = vpow2.f32 v1;
	_ =	sdelay $0x8  }
0x11a: {  	v1 =	vpop (erf)  }
0x11b: {  	v1 =	vadd.f32 $-1.000000000e+00, v1  }
0x11c: {  	vm14 =	vgt.f32 v0, $0.0e+00  }
0x11d: {  	v0 =	vsel vm14, v0, v1  }
0x11e: {  	[tilespmem:s19+$0x5E80] =	vst v0  }
0x11f: {  	v0 =	vld [tilespmem:s17+$0x40];
	_ =	sdelay $0x4  }
0x120: {  	v1 =	vmin.f32 v0, $0.0e+00  }
0x121: {  	v1 =	vmul.f32 $1.442695020e+00, v1;
	_ =	sdelay $0x1  }
0x122: {  	(erf) = vpow2.f32 v1;
	_ =	sdelay $0x8  }
0x123: {  	v1 =	vpop (erf)  }
0x124: {  	v1 =	vadd.f32 $-1.000000000e+00, v1  }
0x125: {  	vm15 =	vgt.f32 v0, $0.0e+00  }
0x126: {  	s19 =	simm.s32 $0xA0;
	v0 =	vsel vm15, v0, v1  }
.LBB2_4:
0x127: {  	p0 =	sne.s32 s19, $0x5D20;
	[tilespmem:s18+$0x40] =	vst v0;
	s17 =	sadd.s32 $0xA0, s17;
	s18 =	sadd.s32 $0xA0, s18  }
0x128: {  	s20 =	smov.u32 s19;
	s19 =	sadd.s32 $0xA0, s19;
	v0 =	vld [tilespmem:s17+$0xFFFFFFB0];
	_ =	sdelay $0x4  }
0x129: {  	v1 =	vmin.f32 v0, $0.0e+00  }
0x12a: {  	v1 =	vmul.f32 $1.442695020e+00, v1;
	_ =	sdelay $0x1  }
0x12b: {  	(erf) = vpow2.f32 v1;
	_ =	sdelay $0x8  }
0x12c: {  	v1 =	vpop (erf)  }
0x12d: {  	v1 =	vadd.f32 $-1.000000000e+00, v1  }
0x12e: {  	vm0 =	vgt.f32 v0, $0.0e+00  }
0x12f: {  	v0 =	vsel vm0, v0, v1  }
0x130: {  	[tilespmem:s18+$0xFFFFFFB0] =	vst v0  }
0x131: {  	v0 =	vld [tilespmem:s17+$0xFFFFFFC0];
	_ =	sdelay $0x4  }
0x132: {  	v1 =	vmin.f32 v0, $0.0e+00  }
0x133: {  	v1 =	vmul.f32 $1.442695020e+00, v1;
	_ =	sdelay $0x1  }
0x134: {  	(erf) = vpow2.f32 v1;
	_ =	sdelay $0x8  }
0x135: {  	v1 =	vpop (erf)  }
0x136: {  	v1 =	vadd.f32 $-1.000000000e+00, v1  }
0x137: {  	vm0 =	vgt.f32 v0, $0.0e+00  }
0x138: {  	v0 =	vsel vm0, v0, v1  }
0x139: {  	[tilespmem:s18+$0xFFFFFFC0] =	vst v0  }
0x13a: {  	v0 =	vld [tilespmem:s17+$0xFFFFFFD0];
	_ =	sdelay $0x4  }
0x13b: {  	v1 =	vmin.f32 v0, $0.0e+00  }
0x13c: {  	v1 =	vmul.f32 $1.442695020e+00, v1;
	_ =	sdelay $0x1  }
0x13d: {  	(erf) = vpow2.f32 v1;
	_ =	sdelay $0x8  }
0x13e: {  	v1 =	vpop (erf)  }
0x13f: {  	v1 =	vadd.f32 $-1.000000000e+00, v1  }
0x140: {  	vm0 =	vgt.f32 v0, $0.0e+00  }
0x141: {  	v0 =	vsel vm0, v0, v1  }
0x142: {  	[tilespmem:s18+$0xFFFFFFD0] =	vst v0  }
0x143: {  	v0 =	vld [tilespmem:s17+$0xFFFFFFE0];
	_ =	sdelay $0x4  }
0x144: {  	v1 =	vmin.f32 v0, $0.0e+00  }
0x145: {  	v1 =	vmul.f32 $1.442695020e+00, v1;
	_ =	sdelay $0x1  }
0x146: {  	(erf) = vpow2.f32 v1;
	_ =	sdelay $0x8  }
0x147: {  	v1 =	vpop (erf)  }
0x148: {  	v1 =	vadd.f32 $-1.000000000e+00, v1  }
0x149: {  	vm0 =	vgt.f32 v0, $0.0e+00  }
0x14a: {  	v0 =	vsel vm0, v0, v1  }
0x14b: {  	[tilespmem:s18+$0xFFFFFFE0] =	vst v0  }
0x14c: {  	v0 =	vld [tilespmem:s17+$0xFFFFFFF0];
	_ =	sdelay $0x4  }
0x14d: {  	v1 =	vmin.f32 v0, $0.0e+00  }
0x14e: {  	v1 =	vmul.f32 $1.442695020e+00, v1;
	_ =	sdelay $0x1  }
0x14f: {  	(erf) = vpow2.f32 v1;
	_ =	sdelay $0x8  }
0x150: {  	v1 =	vpop (erf)  }
0x151: {  	v1 =	vadd.f32 $-1.000000000e+00, v1  }
0x152: {  	vm0 =	vgt.f32 v0, $0.0e+00  }
0x153: {  	v0 =	vsel vm0, v0, v1  }
0x154: {  	[tilespmem:s18+$0xFFFFFFF0] =	vst v0  }
0x155: {  	v0 =	vld [tilespmem:s17+$0x0];
	_ =	sdelay $0x4  }
0x156: {  	v1 =	vmin.f32 v0, $0.0e+00  }
0x157: {  	v1 =	vmul.f32 $1.442695020e+00, v1;
	_ =	sdelay $0x1  }
0x158: {  	(erf) = vpow2.f32 v1;
	_ =	sdelay $0x8  }
0x159: {  	v1 =	vpop (erf)  }
0x15a: {  	v1 =	vadd.f32 $-1.000000000e+00, v1  }
0x15b: {  	vm0 =	vgt.f32 v0, $0.0e+00  }
0x15c: {  	v0 =	vsel vm0, v0, v1  }
0x15d: {  	[tilespmem:s18+$0x0] =	vst v0  }
0x15e: {  	v0 =	vld [tilespmem:s17+$0x10];
	_ =	sdelay $0x4  }
0x15f: {  	v1 =	vmin.f32 v0, $0.0e+00  }
0x160: {  	v1 =	vmul.f32 $1.442695020e+00, v1;
	_ =	sdelay $0x1  }
0x161: {  	(erf) = vpow2.f32 v1;
	_ =	sdelay $0x8  }
0x162: {  	v1 =	vpop (erf)  }
0x163: {  	v1 =	vadd.f32 $-1.000000000e+00, v1  }
0x164: {  	vm0 =	vgt.f32 v0, $0.0e+00  }
0x165: {  	v0 =	vsel vm0, v0, v1  }
0x166: {  	[tilespmem:s18+$0x10] =	vst v0  }
0x167: {  	v0 =	vld [tilespmem:s17+$0x20];
	_ =	sdelay $0x4  }
0x168: {  	v1 =	vmin.f32 v0, $0.0e+00  }
0x169: {  	v1 =	vmul.f32 $1.442695020e+00, v1;
	_ =	sdelay $0x1  }
0x16a: {  	(erf) = vpow2.f32 v1;
	_ =	sdelay $0x8  }
0x16b: {  	v1 =	vpop (erf)  }
0x16c: {  	v1 =	vadd.f32 $-1.000000000e+00, v1  }
0x16d: {  	vm0 =	vgt.f32 v0, $0.0e+00  }
0x16e: {  	v0 =	vsel vm0, v0, v1  }
0x16f: {  	s20 =	sand.u32 $0xFFE0, s20;
	[tilespmem:s18+$0x20] =	vst v0  }
0x170: {  	v0 =	vld [tilespmem:s20+$0x80];
	_ =	sdelay $0x4  }
0x171: {  	v1 =	vmin.f32 v0, $0.0e+00  }
0x172: {  	v1 =	vmul.f32 $1.442695020e+00, v1;
	_ =	sdelay $0x1  }
0x173: {  	(erf) = vpow2.f32 v1;
	_ =	sdelay $0x8  }
0x174: {  	v1 =	vpop (erf)  }
0x175: {  	v1 =	vadd.f32 $-1.000000000e+00, v1  }
0x176: {  	vm0 =	vgt.f32 v0, $0.0e+00  }
0x177: {  	v0 =	vsel vm0, v0, v1  }
0x178: {  	[tilespmem:s20+$0x5E80] =	vst v0  }
0x179: {  	v0 =	vld [tilespmem:s17+$0x40];
	_ =	sdelay $0x4  }
0x17a: {  	v1 =	vmin.f32 v0, $0.0e+00  }
0x17b: {  	v1 =	vmul.f32 $1.442695020e+00, v1;
	_ =	sdelay $0x1  }
0x17c: {  	(erf) = vpow2.f32 v1;
	_ =	sdelay $0x7  }
.Ltmp1:
0x17d: {  	(pc) =	sbr.rel @p0 .LBB2_4-.Ltmp1, $4  }
0x17e: {  	v1 =	vpop (erf)  }
0x17f: {  	v1 =	vadd.f32 $-1.000000000e+00, v1  }
0x180: {  	vm0 =	vgt.f32 v0, $0.0e+00  }
0x181: {  	v0 =	vsel vm0, v0, v1  }
0x182: {  	[tilespmem:s18+$0x40] =	vst v0;
	s19 =	simm.s32 $0x0  }
0x183: {  	[hbm4b:s6+s19] =	stream.linear.scatter [tilespmem:s15], [sflag:$0x1], $0x5DC0, $0x38;
	[tilespmem:$0xBC00] =	vst v63  }
0x184: {  	_ =	swait.ge [sflag:s14], $0x5DC0  }
0x185: {  	[sflag:s14] =	ssyncset.done $0x0  }
0x186: {  	[sflag:s14] =	ssyncadd.s32 $0xFFFFA240  }
0x187: {  	[tilespmem:s19], [sflag:$0x1] =	stream.linear.gather [hbm4b:s7+s19], $0x5DC0, $0x38;
	[tilespmem:$0xBC00] =	vst v63  }
0x188: {  	_ =	swait.ge [sflag:s14], $0x5DC0  }
0x189: {  	[sflag:s14] =	ssyncset.done $0x0  }
0x18a: {  	s17 =	simm.s32 $0x50;
	[sflag:s14] =	ssyncadd.s32 $0xFFFFA240  }
0x18b: {  	v0 =	vld [tilespmem:s17+$0xFFFFFFB0];
	_ =	sdelay $0x4  }
0x18c: {  	v1 =	vmin.f32 v0, $0.0e+00  }
0x18d: {  	v1 =	vmul.f32 $1.442695020e+00, v1;
	_ =	sdelay $0x1  }
0x18e: {  	(erf) = vpow2.f32 v1;
	_ =	sdelay $0x8  }
0x18f: {  	v1 =	vpop (erf)  }
0x190: {  	v1 =	vadd.f32 $-1.000000000e+00, v1  }
0x191: {  	vm0 =	vgt.f32 v0, $0.0e+00  }
0x192: {  	s18 =	simm.s32 $0x5E50;
	v0 =	vsel vm0, v0, v1  }
0x193: {  	[tilespmem:s18+$0xFFFFFFB0] =	vst v0  }
0x194: {  	v0 =	vld [tilespmem:s17+$0xFFFFFFC0];
	_ =	sdelay $0x4  }
0x195: {  	v1 =	vmin.f32 v0, $0.0e+00  }
0x196: {  	v1 =	vmul.f32 $1.442695020e+00, v1;
	_ =	sdelay $0x1  }
0x197: {  	(erf) = vpow2.f32 v1;
	_ =	sdelay $0x8  }
0x198: {  	v1 =	vpop (erf)  }
0x199: {  	v1 =	vadd.f32 $-1.000000000e+00, v1  }
0x19a: {  	vm7 =	vgt.f32 v0, $0.0e+00  }
0x19b: {  	v0 =	vsel vm7, v0, v1  }
0x19c: {  	[tilespmem:s18+$0xFFFFFFC0] =	vst v0  }
0x19d: {  	v0 =	vld [tilespmem:s17+$0xFFFFFFD0];
	_ =	sdelay $0x4  }
0x19e: {  	v1 =	vmin.f32 v0, $0.0e+00  }
0x19f: {  	v1 =	vmul.f32 $1.442695020e+00, v1;
	_ =	sdelay $0x1  }
0x1a0: {  	(erf) = vpow2.f32 v1;
	_ =	sdelay $0x8  }
0x1a1: {  	v1 =	vpop (erf)  }
0x1a2: {  	v1 =	vadd.f32 $-1.000000000e+00, v1  }
0x1a3: {  	vm8 =	vgt.f32 v0, $0.0e+00  }
0x1a4: {  	v0 =	vsel vm8, v0, v1  }
0x1a5: {  	[tilespmem:s18+$0xFFFFFFD0] =	vst v0  }
0x1a6: {  	v0 =	vld [tilespmem:s17+$0xFFFFFFE0];
	_ =	sdelay $0x4  }
0x1a7: {  	v1 =	vmin.f32 v0, $0.0e+00  }
0x1a8: {  	v1 =	vmul.f32 $1.442695020e+00, v1;
	_ =	sdelay $0x1  }
0x1a9: {  	(erf) = vpow2.f32 v1;
	_ =	sdelay $0x8  }
0x1aa: {  	v1 =	vpop (erf)  }
0x1ab: {  	v1 =	vadd.f32 $-1.000000000e+00, v1  }
0x1ac: {  	vm9 =	vgt.f32 v0, $0.0e+00  }
0x1ad: {  	v0 =	vsel vm9, v0, v1  }
0x1ae: {  	[tilespmem:s18+$0xFFFFFFE0] =	vst v0  }
0x1af: {  	v0 =	vld [tilespmem:s17+$0xFFFFFFF0];
	_ =	sdelay $0x4  }
0x1b0: {  	v1 =	vmin.f32 v0, $0.0e+00  }
0x1b1: {  	v1 =	vmul.f32 $1.442695020e+00, v1;
	_ =	sdelay $0x1  }
0x1b2: {  	(erf) = vpow2.f32 v1;
	_ =	sdelay $0x8  }
0x1b3: {  	v1 =	vpop (erf)  }
0x1b4: {  	v1 =	vadd.f32 $-1.000000000e+00, v1  }
0x1b5: {  	vm10 =	vgt.f32 v0, $0.0e+00  }
0x1b6: {  	v0 =	vsel vm10, v0, v1  }
0x1b7: {  	[tilespmem:s18+$0xFFFFFFF0] =	vst v0  }
0x1b8: {  	v0 =	vld [tilespmem:s17+$0x0];
	_ =	sdelay $0x4  }
0x1b9: {  	v1 =	vmin.f32 v0, $0.0e+00  }
0x1ba: {  	v1 =	vmul.f32 $1.442695020e+00, v1;
	_ =	sdelay $0x1  }
0x1bb: {  	(erf) = vpow2.f32 v1;
	_ =	sdelay $0x8  }
0x1bc: {  	v1 =	vpop (erf)  }
0x1bd: {  	v1 =	vadd.f32 $-1.000000000e+00, v1  }
0x1be: {  	vm11 =	vgt.f32 v0, $0.0e+00  }
0x1bf: {  	v0 =	vsel vm11, v0, v1  }
0x1c0: {  	[tilespmem:s18+$0x0] =	vst v0  }
0x1c1: {  	v0 =	vld [tilespmem:s17+$0x10];
	_ =	sdelay $0x4  }
0x1c2: {  	v1 =	vmin.f32 v0, $0.0e+00  }
0x1c3: {  	v1 =	vmul.f32 $1.442695020e+00, v1;
	_ =	sdelay $0x1  }
0x1c4: {  	(erf) = vpow2.f32 v1;
	_ =	sdelay $0x8  }
0x1c5: {  	v1 =	vpop (erf)  }
0x1c6: {  	v1 =	vadd.f32 $-1.000000000e+00, v1  }
0x1c7: {  	vm12 =	vgt.f32 v0, $0.0e+00  }
0x1c8: {  	v0 =	vsel vm12, v0, v1  }
0x1c9: {  	[tilespmem:s18+$0x10] =	vst v0  }
0x1ca: {  	v0 =	vld [tilespmem:s17+$0x20];
	_ =	sdelay $0x4  }
0x1cb: {  	v1 =	vmin.f32 v0, $0.0e+00  }
0x1cc: {  	v1 =	vmul.f32 $1.442695020e+00, v1;
	_ =	sdelay $0x1  }
0x1cd: {  	(erf) = vpow2.f32 v1;
	_ =	sdelay $0x8  }
0x1ce: {  	v1 =	vpop (erf)  }
0x1cf: {  	v1 =	vadd.f32 $-1.000000000e+00, v1  }
0x1d0: {  	vm13 =	vgt.f32 v0, $0.0e+00  }
0x1d1: {  	v0 =	vsel vm13, v0, v1  }
0x1d2: {  	s19 =	sand.u32 $0xFFE0, s19;
	[tilespmem:s18+$0x20] =	vst v0  }
0x1d3: {  	v0 =	vld [tilespmem:s19+$0x80];
	_ =	sdelay $0x4  }
0x1d4: {  	v1 =	vmin.f32 v0, $0.0e+00  }
0x1d5: {  	v1 =	vmul.f32 $1.442695020e+00, v1;
	_ =	sdelay $0x1  }
0x1d6: {  	(erf) = vpow2.f32 v1;
	_ =	sdelay $0x8  }
0x1d7: {  	v1 =	vpop (erf)  }
0x1d8: {  	v1 =	vadd.f32 $-1.000000000e+00, v1  }
0x1d9: {  	vm14 =	vgt.f32 v0, $0.0e+00  }
0x1da: {  	v0 =	vsel vm14, v0, v1  }
0x1db: {  	[tilespmem:s19+$0x5E80] =	vst v0  }
0x1dc: {  	v0 =	vld [tilespmem:s17+$0x40];
	_ =	sdelay $0x4  }
0x1dd: {  	v1 =	vmin.f32 v0, $0.0e+00  }
0x1de: {  	v1 =	vmul.f32 $1.442695020e+00, v1;
	_ =	sdelay $0x1  }
0x1df: {  	(erf) = vpow2.f32 v1;
	_ =	sdelay $0x8  }
0x1e0: {  	v1 =	vpop (erf)  }
0x1e1: {  	v1 =	vadd.f32 $-1.000000000e+00, v1  }
0x1e2: {  	vm15 =	vgt.f32 v0, $0.0e+00  }
0x1e3: {  	s19 =	simm.s32 $0xA0;
	v0 =	vsel vm15, v0, v1  }
.LBB2_6:
0x1e4: {  	p0 =	sne.s32 s19, $0x5D20;
	[tilespmem:s18+$0x40] =	vst v0;
	s17 =	sadd.s32 $0xA0, s17;
	s18 =	sadd.s32 $0xA0, s18  }
0x1e5: {  	s20 =	smov.u32 s19;
	s19 =	sadd.s32 $0xA0, s19;
	v0 =	vld [tilespmem:s17+$0xFFFFFFB0];
	_ =	sdelay $0x4  }
0x1e6: {  	v1 =	vmin.f32 v0, $0.0e+00  }
0x1e7: {  	v1 =	vmul.f32 $1.442695020e+00, v1;
	_ =	sdelay $0x1  }
0x1e8: {  	(erf) = vpow2.f32 v1;
	_ =	sdelay $0x8  }
0x1e9: {  	v1 =	vpop (erf)  }
0x1ea: {  	v1 =	vadd.f32 $-1.000000000e+00, v1  }
0x1eb: {  	vm0 =	vgt.f32 v0, $0.0e+00  }
0x1ec: {  	v0 =	vsel vm0, v0, v1  }
0x1ed: {  	[tilespmem:s18+$0xFFFFFFB0] =	vst v0  }
0x1ee: {  	v0 =	vld [tilespmem:s17+$0xFFFFFFC0];
	_ =	sdelay $0x4  }
0x1ef: {  	v1 =	vmin.f32 v0, $0.0e+00  }
0x1f0: {  	v1 =	vmul.f32 $1.442695020e+00, v1;
	_ =	sdelay $0x1  }
0x1f1: {  	(erf) = vpow2.f32 v1;
	_ =	sdelay $0x8  }
0x1f2: {  	v1 =	vpop (erf)  }
0x1f3: {  	v1 =	vadd.f32 $-1.000000000e+00, v1  }
0x1f4: {  	vm0 =	vgt.f32 v0, $0.0e+00  }
0x1f5: {  	v0 =	vsel vm0, v0, v1  }
0x1f6: {  	[tilespmem:s18+$0xFFFFFFC0] =	vst v0  }
0x1f7: {  	v0 =	vld [tilespmem:s17+$0xFFFFFFD0];
	_ =	sdelay $0x4  }
0x1f8: {  	v1 =	vmin.f32 v0, $0.0e+00  }
0x1f9: {  	v1 =	vmul.f32 $1.442695020e+00, v1;
	_ =	sdelay $0x1  }
0x1fa: {  	(erf) = vpow2.f32 v1;
	_ =	sdelay $0x8  }
0x1fb: {  	v1 =	vpop (erf)  }
0x1fc: {  	v1 =	vadd.f32 $-1.000000000e+00, v1  }
0x1fd: {  	vm0 =	vgt.f32 v0, $0.0e+00  }
0x1fe: {  	v0 =	vsel vm0, v0, v1  }
0x1ff: {  	[tilespmem:s18+$0xFFFFFFD0] =	vst v0  }
0x200: {  	v0 =	vld [tilespmem:s17+$0xFFFFFFE0];
	_ =	sdelay $0x4  }
0x201: {  	v1 =	vmin.f32 v0, $0.0e+00  }
0x202: {  	v1 =	vmul.f32 $1.442695020e+00, v1;
	_ =	sdelay $0x1  }
0x203: {  	(erf) = vpow2.f32 v1;
	_ =	sdelay $0x8  }
0x204: {  	v1 =	vpop (erf)  }
0x205: {  	v1 =	vadd.f32 $-1.000000000e+00, v1  }
0x206: {  	vm0 =	vgt.f32 v0, $0.0e+00  }
0x207: {  	v0 =	vsel vm0, v0, v1  }
0x208: {  	[tilespmem:s18+$0xFFFFFFE0] =	vst v0  }
0x209: {  	v0 =	vld [tilespmem:s17+$0xFFFFFFF0];
	_ =	sdelay $0x4  }
0x20a: {  	v1 =	vmin.f32 v0, $0.0e+00  }
0x20b: {  	v1 =	vmul.f32 $1.442695020e+00, v1;
	_ =	sdelay $0x1  }
0x20c: {  	(erf) = vpow2.f32 v1;
	_ =	sdelay $0x8  }
0x20d: {  	v1 =	vpop (erf)  }
0x20e: {  	v1 =	vadd.f32 $-1.000000000e+00, v1  }
0x20f: {  	vm0 =	vgt.f32 v0, $0.0e+00  }
0x210: {  	v0 =	vsel vm0, v0, v1  }
0x211: {  	[tilespmem:s18+$0xFFFFFFF0] =	vst v0  }
0x212: {  	v0 =	vld [tilespmem:s17+$0x0];
	_ =	sdelay $0x4  }
0x213: {  	v1 =	vmin.f32 v0, $0.0e+00  }
0x214: {  	v1 =	vmul.f32 $1.442695020e+00, v1;
	_ =	sdelay $0x1  }
0x215: {  	(erf) = vpow2.f32 v1;
	_ =	sdelay $0x8  }
0x216: {  	v1 =	vpop (erf)  }
0x217: {  	v1 =	vadd.f32 $-1.000000000e+00, v1  }
0x218: {  	vm0 =	vgt.f32 v0, $0.0e+00  }
0x219: {  	v0 =	vsel vm0, v0, v1  }
0x21a: {  	[tilespmem:s18+$0x0] =	vst v0  }
0x21b: {  	v0 =	vld [tilespmem:s17+$0x10];
	_ =	sdelay $0x4  }
0x21c: {  	v1 =	vmin.f32 v0, $0.0e+00  }
0x21d: {  	v1 =	vmul.f32 $1.442695020e+00, v1;
	_ =	sdelay $0x1  }
0x21e: {  	(erf) = vpow2.f32 v1;
	_ =	sdelay $0x8  }
0x21f: {  	v1 =	vpop (erf)  }
0x220: {  	v1 =	vadd.f32 $-1.000000000e+00, v1  }
0x221: {  	vm0 =	vgt.f32 v0, $0.0e+00  }
0x222: {  	v0 =	vsel vm0, v0, v1  }
0x223: {  	[tilespmem:s18+$0x10] =	vst v0  }
0x224: {  	v0 =	vld [tilespmem:s17+$0x20];
	_ =	sdelay $0x4  }
0x225: {  	v1 =	vmin.f32 v0, $0.0e+00  }
0x226: {  	v1 =	vmul.f32 $1.442695020e+00, v1;
	_ =	sdelay $0x1  }
0x227: {  	(erf) = vpow2.f32 v1;
	_ =	sdelay $0x8  }
0x228: {  	v1 =	vpop (erf)  }
0x229: {  	v1 =	vadd.f32 $-1.000000000e+00, v1  }
0x22a: {  	vm0 =	vgt.f32 v0, $0.0e+00  }
0x22b: {  	v0 =	vsel vm0, v0, v1  }
0x22c: {  	s20 =	sand.u32 $0xFFE0, s20;
	[tilespmem:s18+$0x20] =	vst v0  }
0x22d: {  	v0 =	vld [tilespmem:s20+$0x80];
	_ =	sdelay $0x4  }
0x22e: {  	v1 =	vmin.f32 v0, $0.0e+00  }
0x22f: {  	v1 =	vmul.f32 $1.442695020e+00, v1;
	_ =	sdelay $0x1  }
0x230: {  	(erf) = vpow2.f32 v1;
	_ =	sdelay $0x8  }
0x231: {  	v1 =	vpop (erf)  }
0x232: {  	v1 =	vadd.f32 $-1.000000000e+00, v1  }
0x233: {  	vm0 =	vgt.f32 v0, $0.0e+00  }
0x234: {  	v0 =	vsel vm0, v0, v1  }
0x235: {  	[tilespmem:s20+$0x5E80] =	vst v0  }
0x236: {  	v0 =	vld [tilespmem:s17+$0x40];
	_ =	sdelay $0x4  }
0x237: {  	v1 =	vmin.f32 v0, $0.0e+00  }
0x238: {  	v1 =	vmul.f32 $1.442695020e+00, v1;
	_ =	sdelay $0x1  }
0x239: {  	(erf) = vpow2.f32 v1;
	_ =	sdelay $0x7  }
.Ltmp2:
0x23a: {  	(pc) =	sbr.rel @p0 .LBB2_6-.Ltmp2, $4  }
0x23b: {  	v1 =	vpop (erf)  }
0x23c: {  	v1 =	vadd.f32 $-1.000000000e+00, v1  }
0x23d: {  	vm0 =	vgt.f32 v0, $0.0e+00  }
0x23e: {  	v0 =	vsel vm0, v0, v1  }
0x23f: {  	[tilespmem:s18+$0x40] =	vst v0;
	s19 =	simm.s32 $0x0  }
0x240: {  	[hbm4b:s8+s19] =	stream.linear.scatter [tilespmem:s15], [sflag:$0x1], $0x5DC0, $0x38;
	[tilespmem:$0xBC00] =	vst v63  }
0x241: {  	_ =	swait.ge [sflag:s14], $0x5DC0  }
0x242: {  	[sflag:s14] =	ssyncset.done $0x0  }
0x243: {  	[sflag:s14] =	ssyncadd.s32 $0xFFFFA240  }
0x244: {  	[tilespmem:s19], [sflag:$0x1] =	stream.linear.gather [hbm4b:s9+s19], $0x5DC0, $0x38;
	[tilespmem:$0xBC00] =	vst v63  }
0x245: {  	_ =	swait.ge [sflag:s14], $0x5DC0  }
0x246: {  	[sflag:s14] =	ssyncset.done $0x0  }
0x247: {  	s17 =	simm.s32 $0x50;
	[sflag:s14] =	ssyncadd.s32 $0xFFFFA240  }
0x248: {  	v0 =	vld [tilespmem:s17+$0xFFFFFFB0];
	_ =	sdelay $0x4  }
0x249: {  	v1 =	vmin.f32 v0, $0.0e+00  }
0x24a: {  	v1 =	vmul.f32 $1.442695020e+00, v1;
	_ =	sdelay $0x1  }
0x24b: {  	(erf) = vpow2.f32 v1;
	_ =	sdelay $0x8  }
0x24c: {  	v1 =	vpop (erf)  }
0x24d: {  	v1 =	vadd.f32 $-1.000000000e+00, v1  }
0x24e: {  	vm0 =	vgt.f32 v0, $0.0e+00  }
0x24f: {  	s18 =	simm.s32 $0x5E50;
	v0 =	vsel vm0, v0, v1  }
0x250: {  	[tilespmem:s18+$0xFFFFFFB0] =	vst v0  }
0x251: {  	v0 =	vld [tilespmem:s17+$0xFFFFFFC0];
	_ =	sdelay $0x4  }
0x252: {  	v1 =	vmin.f32 v0, $0.0e+00  }
0x253: {  	v1 =	vmul.f32 $1.442695020e+00, v1;
	_ =	sdelay $0x1  }
0x254: {  	(erf) = vpow2.f32 v1;
	_ =	sdelay $0x8  }
0x255: {  	v1 =	vpop (erf)  }
0x256: {  	v1 =	vadd.f32 $-1.000000000e+00, v1  }
0x257: {  	vm7 =	vgt.f32 v0, $0.0e+00  }
0x258: {  	v0 =	vsel vm7, v0, v1  }
0x259: {  	[tilespmem:s18+$0xFFFFFFC0] =	vst v0  }
0x25a: {  	v0 =	vld [tilespmem:s17+$0xFFFFFFD0];
	_ =	sdelay $0x4  }
0x25b: {  	v1 =	vmin.f32 v0, $0.0e+00  }
0x25c: {  	v1 =	vmul.f32 $1.442695020e+00, v1;
	_ =	sdelay $0x1  }
0x25d: {  	(erf) = vpow2.f32 v1;
	_ =	sdelay $0x8  }
0x25e: {  	v1 =	vpop (erf)  }
0x25f: {  	v1 =	vadd.f32 $-1.000000000e+00, v1  }
0x260: {  	vm8 =	vgt.f32 v0, $0.0e+00  }
0x261: {  	v0 =	vsel vm8, v0, v1  }
0x262: {  	[tilespmem:s18+$0xFFFFFFD0] =	vst v0  }
0x263: {  	v0 =	vld [tilespmem:s17+$0xFFFFFFE0];
	_ =	sdelay $0x4  }
0x264: {  	v1 =	vmin.f32 v0, $0.0e+00  }
0x265: {  	v1 =	vmul.f32 $1.442695020e+00, v1;
	_ =	sdelay $0x1  }
0x266: {  	(erf) = vpow2.f32 v1;
	_ =	sdelay $0x8  }
0x267: {  	v1 =	vpop (erf)  }
0x268: {  	v1 =	vadd.f32 $-1.000000000e+00, v1  }
0x269: {  	vm9 =	vgt.f32 v0, $0.0e+00  }
0x26a: {  	v0 =	vsel vm9, v0, v1  }
0x26b: {  	[tilespmem:s18+$0xFFFFFFE0] =	vst v0  }
0x26c: {  	v0 =	vld [tilespmem:s17+$0xFFFFFFF0];
	_ =	sdelay $0x4  }
0x26d: {  	v1 =	vmin.f32 v0, $0.0e+00  }
0x26e: {  	v1 =	vmul.f32 $1.442695020e+00, v1;
	_ =	sdelay $0x1  }
0x26f: {  	(erf) = vpow2.f32 v1;
	_ =	sdelay $0x8  }
0x270: {  	v1 =	vpop (erf)  }
0x271: {  	v1 =	vadd.f32 $-1.000000000e+00, v1  }
0x272: {  	vm10 =	vgt.f32 v0, $0.0e+00  }
0x273: {  	v0 =	vsel vm10, v0, v1  }
0x274: {  	[tilespmem:s18+$0xFFFFFFF0] =	vst v0  }
0x275: {  	v0 =	vld [tilespmem:s17+$0x0];
	_ =	sdelay $0x4  }
0x276: {  	v1 =	vmin.f32 v0, $0.0e+00  }
0x277: {  	v1 =	vmul.f32 $1.442695020e+00, v1;
	_ =	sdelay $0x1  }
0x278: {  	(erf) = vpow2.f32 v1;
	_ =	sdelay $0x8  }
0x279: {  	v1 =	vpop (erf)  }
0x27a: {  	v1 =	vadd.f32 $-1.000000000e+00, v1  }
0x27b: {  	vm11 =	vgt.f32 v0, $0.0e+00  }
0x27c: {  	v0 =	vsel vm11, v0, v1  }
0x27d: {  	[tilespmem:s18+$0x0] =	vst v0  }
0x27e: {  	v0 =	vld [tilespmem:s17+$0x10];
	_ =	sdelay $0x4  }
0x27f: {  	v1 =	vmin.f32 v0, $0.0e+00  }
0x280: {  	v1 =	vmul.f32 $1.442695020e+00, v1;
	_ =	sdelay $0x1  }
0x281: {  	(erf) = vpow2.f32 v1;
	_ =	sdelay $0x8  }
0x282: {  	v1 =	vpop (erf)  }
0x283: {  	v1 =	vadd.f32 $-1.000000000e+00, v1  }
0x284: {  	vm12 =	vgt.f32 v0, $0.0e+00  }
0x285: {  	v0 =	vsel vm12, v0, v1  }
0x286: {  	[tilespmem:s18+$0x10] =	vst v0  }
0x287: {  	v0 =	vld [tilespmem:s17+$0x20];
	_ =	sdelay $0x4  }
0x288: {  	v1 =	vmin.f32 v0, $0.0e+00  }
0x289: {  	v1 =	vmul.f32 $1.442695020e+00, v1;
	_ =	sdelay $0x1  }
0x28a: {  	(erf) = vpow2.f32 v1;
	_ =	sdelay $0x8  }
0x28b: {  	v1 =	vpop (erf)  }
0x28c: {  	v1 =	vadd.f32 $-1.000000000e+00, v1  }
0x28d: {  	vm13 =	vgt.f32 v0, $0.0e+00  }
0x28e: {  	v0 =	vsel vm13, v0, v1  }
0x28f: {  	s19 =	sand.u32 $0xFFE0, s19;
	[tilespmem:s18+$0x20] =	vst v0  }
0x290: {  	v0 =	vld [tilespmem:s19+$0x80];
	_ =	sdelay $0x4  }
0x291: {  	v1 =	vmin.f32 v0, $0.0e+00  }
0x292: {  	v1 =	vmul.f32 $1.442695020e+00, v1;
	_ =	sdelay $0x1  }
0x293: {  	(erf) = vpow2.f32 v1;
	_ =	sdelay $0x8  }
0x294: {  	v1 =	vpop (erf)  }
0x295: {  	v1 =	vadd.f32 $-1.000000000e+00, v1  }
0x296: {  	vm14 =	vgt.f32 v0, $0.0e+00  }
0x297: {  	v0 =	vsel vm14, v0, v1  }
0x298: {  	[tilespmem:s19+$0x5E80] =	vst v0  }
0x299: {  	v0 =	vld [tilespmem:s17+$0x40];
	_ =	sdelay $0x4  }
0x29a: {  	v1 =	vmin.f32 v0, $0.0e+00  }
0x29b: {  	v1 =	vmul.f32 $1.442695020e+00, v1;
	_ =	sdelay $0x1  }
0x29c: {  	(erf) = vpow2.f32 v1;
	_ =	sdelay $0x8  }
0x29d: {  	v1 =	vpop (erf)  }
0x29e: {  	v1 =	vadd.f32 $-1.000000000e+00, v1  }
0x29f: {  	vm15 =	vgt.f32 v0, $0.0e+00  }
0x2a0: {  	s19 =	simm.s32 $0xA0;
	v0 =	vsel vm15, v0, v1  }
.LBB2_8:
0x2a1: {  	p0 =	sne.s32 s19, $0x5D20;
	[tilespmem:s18+$0x40] =	vst v0;
	s17 =	sadd.s32 $0xA0, s17;
	s18 =	sadd.s32 $0xA0, s18  }
0x2a2: {  	s20 =	smov.u32 s19;
	s19 =	sadd.s32 $0xA0, s19;
	v0 =	vld [tilespmem:s17+$0xFFFFFFB0];
	_ =	sdelay $0x4  }
0x2a3: {  	v1 =	vmin.f32 v0, $0.0e+00  }
0x2a4: {  	v1 =	vmul.f32 $1.442695020e+00, v1;
	_ =	sdelay $0x1  }
0x2a5: {  	(erf) = vpow2.f32 v1;
	_ =	sdelay $0x8  }
0x2a6: {  	v1 =	vpop (erf)  }
0x2a7: {  	v1 =	vadd.f32 $-1.000000000e+00, v1  }
0x2a8: {  	vm0 =	vgt.f32 v0, $0.0e+00  }
0x2a9: {  	v0 =	vsel vm0, v0, v1  }
0x2aa: {  	[tilespmem:s18+$0xFFFFFFB0] =	vst v0  }
0x2ab: {  	v0 =	vld [tilespmem:s17+$0xFFFFFFC0];
	_ =	sdelay $0x4  }
0x2ac: {  	v1 =	vmin.f32 v0, $0.0e+00  }
0x2ad: {  	v1 =	vmul.f32 $1.442695020e+00, v1;
	_ =	sdelay $0x1  }
0x2ae: {  	(erf) = vpow2.f32 v1;
	_ =	sdelay $0x8  }
0x2af: {  	v1 =	vpop (erf)  }
0x2b0: {  	v1 =	vadd.f32 $-1.000000000e+00, v1  }
0x2b1: {  	vm0 =	vgt.f32 v0, $0.0e+00  }
0x2b2: {  	v0 =	vsel vm0, v0, v1  }
0x2b3: {  	[tilespmem:s18+$0xFFFFFFC0] =	vst v0  }
0x2b4: {  	v0 =	vld [tilespmem:s17+$0xFFFFFFD0];
	_ =	sdelay $0x4  }
0x2b5: {  	v1 =	vmin.f32 v0, $0.0e+00  }
0x2b6: {  	v1 =	vmul.f32 $1.442695020e+00, v1;
	_ =	sdelay $0x1  }
0x2b7: {  	(erf) = vpow2.f32 v1;
	_ =	sdelay $0x8  }
0x2b8: {  	v1 =	vpop (erf)  }
0x2b9: {  	v1 =	vadd.f32 $-1.000000000e+00, v1  }
0x2ba: {  	vm0 =	vgt.f32 v0, $0.0e+00  }
0x2bb: {  	v0 =	vsel vm0, v0, v1  }
0x2bc: {  	[tilespmem:s18+$0xFFFFFFD0] =	vst v0  }
0x2bd: {  	v0 =	vld [tilespmem:s17+$0xFFFFFFE0];
	_ =	sdelay $0x4  }
0x2be: {  	v1 =	vmin.f32 v0, $0.0e+00  }
0x2bf: {  	v1 =	vmul.f32 $1.442695020e+00, v1;
	_ =	sdelay $0x1  }
0x2c0: {  	(erf) = vpow2.f32 v1;
	_ =	sdelay $0x8  }
0x2c1: {  	v1 =	vpop (erf)  }
0x2c2: {  	v1 =	vadd.f32 $-1.000000000e+00, v1  }
0x2c3: {  	vm0 =	vgt.f32 v0, $0.0e+00  }
0x2c4: {  	v0 =	vsel vm0, v0, v1  }
0x2c5: {  	[tilespmem:s18+$0xFFFFFFE0] =	vst v0  }
0x2c6: {  	v0 =	vld [tilespmem:s17+$0xFFFFFFF0];
	_ =	sdelay $0x4  }
0x2c7: {  	v1 =	vmin.f32 v0, $0.0e+00  }
0x2c8: {  	v1 =	vmul.f32 $1.442695020e+00, v1;
	_ =	sdelay $0x1  }
0x2c9: {  	(erf) = vpow2.f32 v1;
	_ =	sdelay $0x8  }
0x2ca: {  	v1 =	vpop (erf)  }
0x2cb: {  	v1 =	vadd.f32 $-1.000000000e+00, v1  }
0x2cc: {  	vm0 =	vgt.f32 v0, $0.0e+00  }
0x2cd: {  	v0 =	vsel vm0, v0, v1  }
0x2ce: {  	[tilespmem:s18+$0xFFFFFFF0] =	vst v0  }
0x2cf: {  	v0 =	vld [tilespmem:s17+$0x0];
	_ =	sdelay $0x4  }
0x2d0: {  	v1 =	vmin.f32 v0, $0.0e+00  }
0x2d1: {  	v1 =	vmul.f32 $1.442695020e+00, v1;
	_ =	sdelay $0x1  }
0x2d2: {  	(erf) = vpow2.f32 v1;
	_ =	sdelay $0x8  }
0x2d3: {  	v1 =	vpop (erf)  }
0x2d4: {  	v1 =	vadd.f32 $-1.000000000e+00, v1  }
0x2d5: {  	vm0 =	vgt.f32 v0, $0.0e+00  }
0x2d6: {  	v0 =	vsel vm0, v0, v1  }
0x2d7: {  	[tilespmem:s18+$0x0] =	vst v0  }
0x2d8: {  	v0 =	vld [tilespmem:s17+$0x10];
	_ =	sdelay $0x4  }
0x2d9: {  	v1 =	vmin.f32 v0, $0.0e+00  }
0x2da: {  	v1 =	vmul.f32 $1.442695020e+00, v1;
	_ =	sdelay $0x1  }
0x2db: {  	(erf) = vpow2.f32 v1;
	_ =	sdelay $0x8  }
0x2dc: {  	v1 =	vpop (erf)  }
0x2dd: {  	v1 =	vadd.f32 $-1.000000000e+00, v1  }
0x2de: {  	vm0 =	vgt.f32 v0, $0.0e+00  }
0x2df: {  	v0 =	vsel vm0, v0, v1  }
0x2e0: {  	[tilespmem:s18+$0x10] =	vst v0  }
0x2e1: {  	v0 =	vld [tilespmem:s17+$0x20];
	_ =	sdelay $0x4  }
0x2e2: {  	v1 =	vmin.f32 v0, $0.0e+00  }
0x2e3: {  	v1 =	vmul.f32 $1.442695020e+00, v1;
	_ =	sdelay $0x1  }
0x2e4: {  	(erf) = vpow2.f32 v1;
	_ =	sdelay $0x8  }
0x2e5: {  	v1 =	vpop (erf)  }
0x2e6: {  	v1 =	vadd.f32 $-1.000000000e+00, v1  }
0x2e7: {  	vm0 =	vgt.f32 v0, $0.0e+00  }
0x2e8: {  	v0 =	vsel vm0, v0, v1  }
0x2e9: {  	s20 =	sand.u32 $0xFFE0, s20;
	[tilespmem:s18+$0x20] =	vst v0  }
0x2ea: {  	v0 =	vld [tilespmem:s20+$0x80];
	_ =	sdelay $0x4  }
0x2eb: {  	v1 =	vmin.f32 v0, $0.0e+00  }
0x2ec: {  	v1 =	vmul.f32 $1.442695020e+00, v1;
	_ =	sdelay $0x1  }
0x2ed: {  	(erf) = vpow2.f32 v1;
	_ =	sdelay $0x8  }
0x2ee: {  	v1 =	vpop (erf)  }
0x2ef: {  	v1 =	vadd.f32 $-1.000000000e+00, v1  }
0x2f0: {  	vm0 =	vgt.f32 v0, $0.0e+00  }
0x2f1: {  	v0 =	vsel vm0, v0, v1  }
0x2f2: {  	[tilespmem:s20+$0x5E80] =	vst v0  }
0x2f3: {  	v0 =	vld [tilespmem:s17+$0x40];
	_ =	sdelay $0x4  }
0x2f4: {  	v1 =	vmin.f32 v0, $0.0e+00  }
0x2f5: {  	v1 =	vmul.f32 $1.442695020e+00, v1;
	_ =	sdelay $0x1  }
0x2f6: {  	(erf) = vpow2.f32 v1;
	_ =	sdelay $0x7  }
.Ltmp3:
0x2f7: {  	(pc) =	sbr.rel @p0 .LBB2_8-.Ltmp3, $4  }
0x2f8: {  	v1 =	vpop (erf)  }
0x2f9: {  	v1 =	vadd.f32 $-1.000000000e+00, v1  }
0x2fa: {  	vm0 =	vgt.f32 v0, $0.0e+00  }
0x2fb: {  	v0 =	vsel vm0, v0, v1  }
0x2fc: {  	[tilespmem:s18+$0x40] =	vst v0;
	s19 =	simm.s32 $0x0  }
0x2fd: {  	[hbm4b:s10+s19] =	stream.linear.scatter [tilespmem:s15], [sflag:$0x1], $0x5DC0, $0x38;
	[tilespmem:$0xBC00] =	vst v63  }
0x2fe: {  	_ =	swait.ge [sflag:s14], $0x5DC0  }
0x2ff: {  	[sflag:s14] =	ssyncset.done $0x0  }
0x300: {  	[sflag:s14] =	ssyncadd.s32 $0xFFFFA240  }
0x301: {  	[tilespmem:s19], [sflag:$0x1] =	stream.linear.gather [hbm4b:s11+s19], $0x5DC0, $0x38;
	[tilespmem:$0xBC00] =	vst v63  }
0x302: {  	_ =	swait.ge [sflag:s14], $0x5DC0  }
0x303: {  	[sflag:s14] =	ssyncset.done $0x0  }
0x304: {  	s17 =	simm.s32 $0x50;
	[sflag:s14] =	ssyncadd.s32 $0xFFFFA240  }
0x305: {  	v0 =	vld [tilespmem:s17+$0xFFFFFFB0];
	_ =	sdelay $0x4  }
0x306: {  	v1 =	vmin.f32 v0, $0.0e+00  }
0x307: {  	v1 =	vmul.f32 $1.442695020e+00, v1;
	_ =	sdelay $0x1  }
0x308: {  	(erf) = vpow2.f32 v1;
	_ =	sdelay $0x8  }
0x309: {  	v1 =	vpop (erf)  }
0x30a: {  	v1 =	vadd.f32 $-1.000000000e+00, v1  }
0x30b: {  	vm0 =	vgt.f32 v0, $0.0e+00  }
0x30c: {  	s18 =	simm.s32 $0x5E50;
	v0 =	vsel vm0, v0, v1  }
0x30d: {  	[tilespmem:s18+$0xFFFFFFB0] =	vst v0  }
0x30e: {  	v0 =	vld [tilespmem:s17+$0xFFFFFFC0];
	_ =	sdelay $0x4  }
0x30f: {  	v1 =	vmin.f32 v0, $0.0e+00  }
0x310: {  	v1 =	vmul.f32 $1.442695020e+00, v1;
	_ =	sdelay $0x1  }
0x311: {  	(erf) = vpow2.f32 v1;
	_ =	sdelay $0x8  }
0x312: {  	v1 =	vpop (erf)  }
0x313: {  	v1 =	vadd.f32 $-1.000000000e+00, v1  }
0x314: {  	vm7 =	vgt.f32 v0, $0.0e+00  }
0x315: {  	v0 =	vsel vm7, v0, v1  }
0x316: {  	[tilespmem:s18+$0xFFFFFFC0] =	vst v0  }
0x317: {  	v0 =	vld [tilespmem:s17+$0xFFFFFFD0];
	_ =	sdelay $0x4  }
0x318: {  	v1 =	vmin.f32 v0, $0.0e+00  }
0x319: {  	v1 =	vmul.f32 $1.442695020e+00, v1;
	_ =	sdelay $0x1  }
0x31a: {  	(erf) = vpow2.f32 v1;
	_ =	sdelay $0x8  }
0x31b: {  	v1 =	vpop (erf)  }
0x31c: {  	v1 =	vadd.f32 $-1.000000000e+00, v1  }
0x31d: {  	vm8 =	vgt.f32 v0, $0.0e+00  }
0x31e: {  	v0 =	vsel vm8, v0, v1  }
0x31f: {  	[tilespmem:s18+$0xFFFFFFD0] =	vst v0  }
0x320: {  	v0 =	vld [tilespmem:s17+$0xFFFFFFE0];
	_ =	sdelay $0x4  }
0x321: {  	v1 =	vmin.f32 v0, $0.0e+00  }
0x322: {  	v1 =	vmul.f32 $1.442695020e+00, v1;
	_ =	sdelay $0x1  }
0x323: {  	(erf) = vpow2.f32 v1;
	_ =	sdelay $0x8  }
0x324: {  	v1 =	vpop (erf)  }
0x325: {  	v1 =	vadd.f32 $-1.000000000e+00, v1  }
0x326: {  	vm9 =	vgt.f32 v0, $0.0e+00  }
0x327: {  	v0 =	vsel vm9, v0, v1  }
0x328: {  	[tilespmem:s18+$0xFFFFFFE0] =	vst v0  }
0x329: {  	v0 =	vld [tilespmem:s17+$0xFFFFFFF0];
	_ =	sdelay $0x4  }
0x32a: {  	v1 =	vmin.f32 v0, $0.0e+00  }
0x32b: {  	v1 =	vmul.f32 $1.442695020e+00, v1;
	_ =	sdelay $0x1  }
0x32c: {  	(erf) = vpow2.f32 v1;
	_ =	sdelay $0x8  }
0x32d: {  	v1 =	vpop (erf)  }
0x32e: {  	v1 =	vadd.f32 $-1.000000000e+00, v1  }
0x32f: {  	vm10 =	vgt.f32 v0, $0.0e+00  }
0x330: {  	v0 =	vsel vm10, v0, v1  }
0x331: {  	[tilespmem:s18+$0xFFFFFFF0] =	vst v0  }
0x332: {  	v0 =	vld [tilespmem:s17+$0x0];
	_ =	sdelay $0x4  }
0x333: {  	v1 =	vmin.f32 v0, $0.0e+00  }
0x334: {  	v1 =	vmul.f32 $1.442695020e+00, v1;
	_ =	sdelay $0x1  }
0x335: {  	(erf) = vpow2.f32 v1;
	_ =	sdelay $0x8  }
0x336: {  	v1 =	vpop (erf)  }
0x337: {  	v1 =	vadd.f32 $-1.000000000e+00, v1  }
0x338: {  	vm11 =	vgt.f32 v0, $0.0e+00  }
0x339: {  	v0 =	vsel vm11, v0, v1  }
0x33a: {  	[tilespmem:s18+$0x0] =	vst v0  }
0x33b: {  	v0 =	vld [tilespmem:s17+$0x10];
	_ =	sdelay $0x4  }
0x33c: {  	v1 =	vmin.f32 v0, $0.0e+00  }
0x33d: {  	v1 =	vmul.f32 $1.442695020e+00, v1;
	_ =	sdelay $0x1  }
0x33e: {  	(erf) = vpow2.f32 v1;
	_ =	sdelay $0x8  }
0x33f: {  	v1 =	vpop (erf)  }
0x340: {  	v1 =	vadd.f32 $-1.000000000e+00, v1  }
0x341: {  	vm12 =	vgt.f32 v0, $0.0e+00  }
0x342: {  	v0 =	vsel vm12, v0, v1  }
0x343: {  	[tilespmem:s18+$0x10] =	vst v0  }
0x344: {  	v0 =	vld [tilespmem:s17+$0x20];
	_ =	sdelay $0x4  }
0x345: {  	v1 =	vmin.f32 v0, $0.0e+00  }
0x346: {  	v1 =	vmul.f32 $1.442695020e+00, v1;
	_ =	sdelay $0x1  }
0x347: {  	(erf) = vpow2.f32 v1;
	_ =	sdelay $0x8  }
0x348: {  	v1 =	vpop (erf)  }
0x349: {  	v1 =	vadd.f32 $-1.000000000e+00, v1  }
0x34a: {  	vm13 =	vgt.f32 v0, $0.0e+00  }
0x34b: {  	v0 =	vsel vm13, v0, v1  }
0x34c: {  	s19 =	sand.u32 $0xFFE0, s19;
	[tilespmem:s18+$0x20] =	vst v0  }
0x34d: {  	v0 =	vld [tilespmem:s19+$0x80];
	_ =	sdelay $0x4  }
0x34e: {  	v1 =	vmin.f32 v0, $0.0e+00  }
0x34f: {  	v1 =	vmul.f32 $1.442695020e+00, v1;
	_ =	sdelay $0x1  }
0x350: {  	(erf) = vpow2.f32 v1;
	_ =	sdelay $0x8  }
0x351: {  	v1 =	vpop (erf)  }
0x352: {  	v1 =	vadd.f32 $-1.000000000e+00, v1  }
0x353: {  	vm14 =	vgt.f32 v0, $0.0e+00  }
0x354: {  	v0 =	vsel vm14, v0, v1  }
0x355: {  	[tilespmem:s19+$0x5E80] =	vst v0  }
0x356: {  	v0 =	vld [tilespmem:s17+$0x40];
	_ =	sdelay $0x4  }
0x357: {  	v1 =	vmin.f32 v0, $0.0e+00  }
0x358: {  	v1 =	vmul.f32 $1.442695020e+00, v1;
	_ =	sdelay $0x1  }
0x359: {  	(erf) = vpow2.f32 v1;
	_ =	sdelay $0x8  }
0x35a: {  	v1 =	vpop (erf)  }
0x35b: {  	v1 =	vadd.f32 $-1.000000000e+00, v1  }
0x35c: {  	vm15 =	vgt.f32 v0, $0.0e+00  }
0x35d: {  	s19 =	simm.s32 $0xA0;
	v0 =	vsel vm15, v0, v1  }
.LBB2_10:
0x35e: {  	p0 =	sne.s32 s19, $0x5D20;
	[tilespmem:s18+$0x40] =	vst v0;
	s17 =	sadd.s32 $0xA0, s17;
	s18 =	sadd.s32 $0xA0, s18  }
0x35f: {  	s20 =	smov.u32 s19;
	s19 =	sadd.s32 $0xA0, s19;
	v0 =	vld [tilespmem:s17+$0xFFFFFFB0];
	_ =	sdelay $0x4  }
0x360: {  	v1 =	vmin.f32 v0, $0.0e+00  }
0x361: {  	v1 =	vmul.f32 $1.442695020e+00, v1;
	_ =	sdelay $0x1  }
0x362: {  	(erf) = vpow2.f32 v1;
	_ =	sdelay $0x8  }
0x363: {  	v1 =	vpop (erf)  }
0x364: {  	v1 =	vadd.f32 $-1.000000000e+00, v1  }
0x365: {  	vm0 =	vgt.f32 v0, $0.0e+00  }
0x366: {  	v0 =	vsel vm0, v0, v1  }
0x367: {  	[tilespmem:s18+$0xFFFFFFB0] =	vst v0  }
0x368: {  	v0 =	vld [tilespmem:s17+$0xFFFFFFC0];
	_ =	sdelay $0x4  }
0x369: {  	v1 =	vmin.f32 v0, $0.0e+00  }
0x36a: {  	v1 =	vmul.f32 $1.442695020e+00, v1;
	_ =	sdelay $0x1  }
0x36b: {  	(erf) = vpow2.f32 v1;
	_ =	sdelay $0x8  }
0x36c: {  	v1 =	vpop (erf)  }
0x36d: {  	v1 =	vadd.f32 $-1.000000000e+00, v1  }
0x36e: {  	vm0 =	vgt.f32 v0, $0.0e+00  }
0x36f: {  	v0 =	vsel vm0, v0, v1  }
0x370: {  	[tilespmem:s18+$0xFFFFFFC0] =	vst v0  }
0x371: {  	v0 =	vld [tilespmem:s17+$0xFFFFFFD0];
	_ =	sdelay $0x4  }
0x372: {  	v1 =	vmin.f32 v0, $0.0e+00  }
0x373: {  	v1 =	vmul.f32 $1.442695020e+00, v1;
	_ =	sdelay $0x1  }
0x374: {  	(erf) = vpow2.f32 v1;
	_ =	sdelay $0x8  }
0x375: {  	v1 =	vpop (erf)  }
0x376: {  	v1 =	vadd.f32 $-1.000000000e+00, v1  }
0x377: {  	vm0 =	vgt.f32 v0, $0.0e+00  }
0x378: {  	v0 =	vsel vm0, v0, v1  }
0x379: {  	[tilespmem:s18+$0xFFFFFFD0] =	vst v0  }
0x37a: {  	v0 =	vld [tilespmem:s17+$0xFFFFFFE0];
	_ =	sdelay $0x4  }
0x37b: {  	v1 =	vmin.f32 v0, $0.0e+00  }
0x37c: {  	v1 =	vmul.f32 $1.442695020e+00, v1;
	_ =	sdelay $0x1  }
0x37d: {  	(erf) = vpow2.f32 v1;
	_ =	sdelay $0x8  }
0x37e: {  	v1 =	vpop (erf)  }
0x37f: {  	v1 =	vadd.f32 $-1.000000000e+00, v1  }
0x380: {  	vm0 =	vgt.f32 v0, $0.0e+00  }
0x381: {  	v0 =	vsel vm0, v0, v1  }
0x382: {  	[tilespmem:s18+$0xFFFFFFE0] =	vst v0  }
0x383: {  	v0 =	vld [tilespmem:s17+$0xFFFFFFF0];
	_ =	sdelay $0x4  }
0x384: {  	v1 =	vmin.f32 v0, $0.0e+00  }
0x385: {  	v1 =	vmul.f32 $1.442695020e+00, v1;
	_ =	sdelay $0x1  }
0x386: {  	(erf) = vpow2.f32 v1;
	_ =	sdelay $0x8  }
0x387: {  	v1 =	vpop (erf)  }
0x388: {  	v1 =	vadd.f32 $-1.000000000e+00, v1  }
0x389: {  	vm0 =	vgt.f32 v0, $0.0e+00  }
0x38a: {  	v0 =	vsel vm0, v0, v1  }
0x38b: {  	[tilespmem:s18+$0xFFFFFFF0] =	vst v0  }
0x38c: {  	v0 =	vld [tilespmem:s17+$0x0];
	_ =	sdelay $0x4  }
0x38d: {  	v1 =	vmin.f32 v0, $0.0e+00  }
0x38e: {  	v1 =	vmul.f32 $1.442695020e+00, v1;
	_ =	sdelay $0x1  }
0x38f: {  	(erf) = vpow2.f32 v1;
	_ =	sdelay $0x8  }
0x390: {  	v1 =	vpop (erf)  }
0x391: {  	v1 =	vadd.f32 $-1.000000000e+00, v1  }
0x392: {  	vm0 =	vgt.f32 v0, $0.0e+00  }
0x393: {  	v0 =	vsel vm0, v0, v1  }
0x394: {  	[tilespmem:s18+$0x0] =	vst v0  }
0x395: {  	v0 =	vld [tilespmem:s17+$0x10];
	_ =	sdelay $0x4  }
0x396: {  	v1 =	vmin.f32 v0, $0.0e+00  }
0x397: {  	v1 =	vmul.f32 $1.442695020e+00, v1;
	_ =	sdelay $0x1  }
0x398: {  	(erf) = vpow2.f32 v1;
	_ =	sdelay $0x8  }
0x399: {  	v1 =	vpop (erf)  }
0x39a: {  	v1 =	vadd.f32 $-1.000000000e+00, v1  }
0x39b: {  	vm0 =	vgt.f32 v0, $0.0e+00  }
0x39c: {  	v0 =	vsel vm0, v0, v1  }
0x39d: {  	[tilespmem:s18+$0x10] =	vst v0  }
0x39e: {  	v0 =	vld [tilespmem:s17+$0x20];
	_ =	sdelay $0x4  }
0x39f: {  	v1 =	vmin.f32 v0, $0.0e+00  }
0x3a0: {  	v1 =	vmul.f32 $1.442695020e+00, v1;
	_ =	sdelay $0x1  }
0x3a1: {  	(erf) = vpow2.f32 v1;
	_ =	sdelay $0x8  }
0x3a2: {  	v1 =	vpop (erf)  }
0x3a3: {  	v1 =	vadd.f32 $-1.000000000e+00, v1  }
0x3a4: {  	vm0 =	vgt.f32 v0, $0.0e+00  }
0x3a5: {  	v0 =	vsel vm0, v0, v1  }
0x3a6: {  	s20 =	sand.u32 $0xFFE0, s20;
	[tilespmem:s18+$0x20] =	vst v0  }
0x3a7: {  	v0 =	vld [tilespmem:s20+$0x80];
	_ =	sdelay $0x4  }
0x3a8: {  	v1 =	vmin.f32 v0, $0.0e+00  }
0x3a9: {  	v1 =	vmul.f32 $1.442695020e+00, v1;
	_ =	sdelay $0x1  }
0x3aa: {  	(erf) = vpow2.f32 v1;
	_ =	sdelay $0x8  }
0x3ab: {  	v1 =	vpop (erf)  }
0x3ac: {  	v1 =	vadd.f32 $-1.000000000e+00, v1  }
0x3ad: {  	vm0 =	vgt.f32 v0, $0.0e+00  }
0x3ae: {  	v0 =	vsel vm0, v0, v1  }
0x3af: {  	[tilespmem:s20+$0x5E80] =	vst v0  }
0x3b0: {  	v0 =	vld [tilespmem:s17+$0x40];
	_ =	sdelay $0x4  }
0x3b1: {  	v1 =	vmin.f32 v0, $0.0e+00  }
0x3b2: {  	v1 =	vmul.f32 $1.442695020e+00, v1;
	_ =	sdelay $0x1  }
0x3b3: {  	(erf) = vpow2.f32 v1;
	_ =	sdelay $0x7  }
.Ltmp4:
0x3b4: {  	(pc) =	sbr.rel @p0 .LBB2_10-.Ltmp4, $4  }
0x3b5: {  	v1 =	vpop (erf)  }
0x3b6: {  	v1 =	vadd.f32 $-1.000000000e+00, v1  }
0x3b7: {  	vm0 =	vgt.f32 v0, $0.0e+00  }
0x3b8: {  	v0 =	vsel vm0, v0, v1  }
0x3b9: {  	s16 =	sadd.s32 $0x1, s16  }
0x3ba: {  	p0 =	sne.s32 s16, s13  }
.Ltmp5:
0x3bb: {  	[tilespmem:s18+$0x40] =	vst v0;
	(pc) =	sbr.rel @p0 .LBB2_1-.Ltmp5, $4  }
0x3bc: {  	[hbm4b:s12+s2] =	stream.linear.scatter [tilespmem:s15], [sflag:$0x1], $0x5DC0, $0x38;
	[tilespmem:$0xBC00] =	vst v63  }
0x3bd: {  	_ =	swait.ge [sflag:s14], $0x5DC0  }
0x3be: {  	[sflag:s14] =	ssyncset.done $0x0  }
0x3bf: {  	[sflag:s14] =	ssyncadd.s32 $0xFFFFA240  }
0x3c0: {  	_ =	sfence.sel $0x180000  }
0x3c1: {  	[bflag:$0x0] =	sbarrier.arrive $0xFFFF  }
0x3c2: {  	p0 =	sne.s32 s0, $0x0;
	_ =	strace $0x90000047  }
0x3c3: {  	s0 =	sadd.s32 @!p0 $0x100000, s1;
	[bflag:$0x2] =	sbarrier.arrive $0xFFFF  }
0x3c4: {  	[sflag:s0] =	ssyncadd.tile.s32 @!p0 $0x1;
	_ =	shalt  }
.Lfunc_end2:
_tile_overlayer_lowered:
.L_overlay_start_2:
0x3c5: {  	(tag) =	ssettag $0x2  }
0x3c6: {  	s0 =	rddreg [dreg:$0x0];
	s2 =	stileid.u32  }
0x3c7: {  	s1 =	rddreg [dreg:$0x1];
	p0 =	sne.s32 s2, $0x0  }
0x3c8: {  	s3 =	rddreg [dreg:$0x2];
	[bflag:$0x3] =	sbarrier.arrive $0xFFFF;
	s2 =	simm.s32 @!p0 $0x1C01  }
0x3c9: {  	[timem:s3], [sflag:s2] =	dma.local @!p0 [hbm:s0], s1  }
0x3ca: {  	s0 =	simm.s32 @!p0 $0x1  }
0x3cb: {  	_ =	swait.ge @!p0 [sflag:s0], s1  }
0x3cc: {  	s1 =	ssub.s32 @!p0 $0x0, s1;
	[sflag:s0] =	ssyncset.done @!p0 $0x0  }
0x3cd: {  	[sflag:s0] =	ssyncadd.s32 @!p0 s1  }
0x3ce: {  	[bflag:$0x3] =	sbarrier.arrive $0xFFFF  }
0x3cf: {  	_ =	shalt  }

</sc_bundles>
